<compile_context>
chip_gen: v7x
topology: tpu7x:2x2x1
jax: 0.10.2.dev20260603
libtpu: 0.0.44.dev20260713+nightly
codegen_flags: <defaults>
</compile_context>

<pallas_src>
import functools

import jax
import jax.numpy as jnp
from jax import lax
from jax.experimental import pallas as pl
from jax.experimental.pallas import tpu as pltpu
from jax.experimental.pallas import tpu_sc as plsc

_E = 8
_D = 1024
_B = 256
_NC = 2
_NS = 16
_NW = _NC * _NS
_CHUNK = 32


def _sc_gather(table, idx3d, n_out):
    nchunks = idx3d.shape[1]
    mesh = plsc.VectorSubcoreMesh(core_axis_name="c", subcore_axis_name="s")

    @functools.partial(
        pl.kernel,
        mesh=mesh,
        out_type=jax.ShapeDtypeStruct((n_out, _D), jnp.float32),
        scratch_types=[
            pltpu.VMEM((nchunks, _CHUNK), jnp.int32),
            pltpu.VMEM((2, _CHUNK, _D), jnp.float32),
            pltpu.SemaphoreType.DMA,
            pltpu.SemaphoreType.DMA,
            pltpu.SemaphoreType.DMA,
            pltpu.SemaphoreType.DMA,
        ],
    )
    def gather_kernel(table_hbm, idx_hbm, out_hbm, idx_v, buf, g0, g1, w0, w1):
        wid = lax.axis_index("s") * _NC + lax.axis_index("c")
        row0 = wid * nchunks
        pltpu.sync_copy(idx_hbm.at[wid], idx_v)
        gsem = (g0, g1)
        wsem = (w0, w1)

        def start_gather(c):
            b = c % 2
            return pltpu.async_copy(
                table_hbm.at[idx_v.at[c]], buf.at[b], gsem[b])

        def start_write(c):
            b = c % 2
            dst = out_hbm.at[pl.ds((row0 + c) * _CHUNK, _CHUNK)]
            return pltpu.async_copy(buf.at[b], dst, wsem[b])

        writes = [None, None]
        pending = start_gather(0)
        for c in range(nchunks):
            pending.wait()
            if c + 1 < nchunks:
                nb = (c + 1) % 2
                if writes[nb] is not None:
                    writes[nb].wait()
                    writes[nb] = None
                pending = start_gather(c + 1)
            writes[c % 2] = start_write(c)
        for h in writes:
            if h is not None:
                h.wait()

    return gather_kernel(table, idx3d)


def _gmm_body(be_ref, x_ref, w_ref, b_ref, o_ref):
    o_ref[...] = jax.lax.dot_general(
        x_ref[...], w_ref[0],
        dimension_numbers=(((1,), (1,)), ((), ())),
        preferred_element_type=jnp.float32) + b_ref[0, 0]


def _gmm(xs_sorted, W, b, block_expert, n_blocks):
    grid_spec = pltpu.PrefetchScalarGridSpec(
        num_scalar_prefetch=1,
        grid=(n_blocks,),
        in_specs=[
            pl.BlockSpec((_B, _D), lambda g, be: (g, 0)),
            pl.BlockSpec((1, _D, _D), lambda g, be: (be[g], 0, 0)),
            pl.BlockSpec((1, 1, _D), lambda g, be: (be[g], 0, 0)),
        ],
        out_specs=pl.BlockSpec((_B, _D), lambda g, be: (g, 0)),
    )
    return pl.pallas_call(
        _gmm_body,
        grid_spec=grid_spec,
        out_shape=jax.ShapeDtypeStruct((n_blocks * _B, _D), jnp.float32),
    )(block_expert, xs_sorted, W, b.reshape(_E, 1, _D))


def _plan(actions, n_tokens, n_blocks, n_padded):
    a = actions.astype(jnp.int32)
    ohf = (a[:, None] == jnp.arange(_E, dtype=jnp.int32)[None, :])
    ohf = ohf.astype(jnp.float32)
    csum = jnp.cumsum(ohf, axis=0)
    rank = (jnp.sum(ohf * csum, axis=1) - 1.0).astype(jnp.int32)
    counts = csum[-1].astype(jnp.int32)
    nblk = (counts + _B - 1) // _B
    cum_nblk = jnp.cumsum(nblk)
    blk_start = jnp.concatenate(
        [jnp.zeros((1,), jnp.int32), cum_nblk[:-1]])
    g = jnp.arange(n_blocks, dtype=jnp.int32)
    block_expert = jnp.minimum(
        jnp.sum((g[:, None] >= cum_nblk[None, :]).astype(jnp.int32), axis=1),
        _E - 1).astype(jnp.int32)
    dest = (ohf @ blk_start.astype(jnp.float32)).astype(jnp.int32) * _B + rank
    pad_base = jnp.arange(n_padded, dtype=jnp.int32) % n_tokens
    src = pad_base.at[dest].set(jnp.arange(n_tokens, dtype=jnp.int32))
    return src, dest, block_expert


@jax.jit
def kernel(xs, mxs, actions, W, b):
    n = xs.shape[0]
    n_blocks = n // _B + _E
    n_padded = n_blocks * _B
    src, dest, block_expert = _plan(actions, n, n_blocks, n_padded)
    xs_sorted = _sc_gather(xs, src.reshape(_NW, -1, _CHUNK), n_padded)
    ys_sorted = _gmm(xs_sorted, W, b, block_expert, n_blocks)
    ys = _sc_gather(ys_sorted, dest.reshape(_NW, -1, _CHUNK), n)
    return ys, mxs, actions

# --- scband reference (transcript-rebuilt; emitter-appended) ---
"""Pipeline reference for scband-selection-11914239279107 (READ-ONLY COPY).

The authoritative reference and input builder live on the scoring server;
editing this copy changes nothing except your own understanding.
"""

import jax, jax.numpy as jnp
import numpy as np

E = 8
D = 1024
N = 4096


def setup_inputs(seed: int = 0) -> dict:
    key = jax.random.key(seed)
    k1, k2, k3 = jax.random.split(key, 3)
    xs = jax.random.normal(k1, (N, D), dtype=jnp.float32)
    mxs = jnp.zeros((N,), dtype=jnp.int32)
    actions = jax.random.randint(k2, (N,), 0, E).astype(jnp.int64)
    # Learned params: E expert Linear(D, D) layers (torch Linear: y = x @ W.T + b)
    W = (jax.random.normal(k3, (E, D, D), dtype=jnp.float32) / np.sqrt(D)).astype(jnp.float32)
    b = jnp.zeros((E, D), dtype=jnp.float32)
    return {"xs": xs, "mxs": mxs, "actions": actions, "W": W, "b": b}


def reference(xs, mxs, actions, W, b):
    # Faithful translation of Selection.forward: each sample i is processed by
    # submodule actions[i] (a Linear(D, D)). Implemented as masked per-expert
    # dense application so every token gets exactly its selected expert's output.
    ys = jnp.zeros((xs.shape[0], D), dtype=xs.dtype)
    for e in range(E):
        mask = (actions == e)
        ye = xs @ W[e].T + b[e]
        ys = ys + jnp.where(mask[:, None], ye, 0.0)
    return (ys, mxs, actions)

if __name__ == "__main__":
    import jax
    _d = setup_inputs()
    print(jax.jit(kernel)(*tuple(_d.values())))

</pallas_src>

<mosaic_0001>
#map = affine_map<(d0, d1) -> (0, 0)>
#map1 = affine_map<(d0, d1) -> (0, 0, 0)>
module attributes {stable_mosaic.version = 14 : i64} {
  func.func @gather_kernel(%arg0: i32, %arg1: i32, %arg2: memref<4096x1024xf32, #tpu.memory_space<hbm>>, %arg3: memref<32x6x32xi32, #tpu.memory_space<hbm>>, %arg4: memref<6144x1024xf32, #tpu.memory_space<hbm>>, %arg5: memref<6x32xi32, #tpu.memory_space<vmem>>, %arg6: memref<2x32x1024xf32, #tpu.memory_space<vmem>>, %arg7: memref<!tpu.dma_semaphore, #tpu.memory_space<semaphore_mem>>, %arg8: memref<!tpu.dma_semaphore, #tpu.memory_space<semaphore_mem>>, %arg9: memref<!tpu.dma_semaphore, #tpu.memory_space<semaphore_mem>>, %arg10: memref<!tpu.dma_semaphore, #tpu.memory_space<semaphore_mem>>) attributes {dimension_semantics = [#tpu.dimension_semantics<core_parallel>, #tpu.dimension_semantics<subcore_parallel>], iteration_bounds = array<i64: 2, 16>, scalar_prefetch = 0 : i64, scratch_operands = 6 : i64, tpu.core_type = #tpu.core_type<sc_vector_subcore>, window_params = [{transform_indices = #map}, {transform_indices = #map1}, {transform_indices = #map}]} {
    %mul3A = arith.constant 2 : i32
    %mul3A_0 = arith.muli %arg1, %mul3A : i32
    %add3A = arith.addi %mul3A_0, %arg0 : i32
    %mul3A_1 = arith.constant 6 : i32
    %mul3A_2 = arith.muli %add3A, %mul3A_1 : i32
    "tpu.region"() ({
      %run_scoped3A = tpu.sem_alloc : memref<!tpu.dma_semaphore, #tpu.memory_space<semaphore_mem>>
      %dma_start3A_325 = arith.constant 0 : i32
      %dma_start3A_326 = arith.constant 0 : i32
      %dma_start3A_327 = tpu.memref_slice %arg3[%add3A, %dma_start3A_325, %dma_start3A_326] : memref<32x6x32xi32, #tpu.memory_space<hbm>> -> memref<1x6x32xi32, #tpu.memory_space<hbm>>
      %dma_start3A_328 = tpu.memref_squeeze %dma_start3A_327 : memref<1x6x32xi32, #tpu.memory_space<hbm>> -> memref<6x32xi32, #tpu.memory_space<hbm>>
      %dma_start3A_329 = arith.constant 0 : i32
      %dma_start3A_330 = arith.constant 0 : i32
      %dma_start3A_331 = tpu.memref_slice %arg3[%add3A, %dma_start3A_329, %dma_start3A_330] : memref<32x6x32xi32, #tpu.memory_space<hbm>> -> memref<1x6x32xi32, #tpu.memory_space<hbm>>
      %dma_start3A_332 = tpu.memref_squeeze %dma_start3A_331 : memref<1x6x32xi32, #tpu.memory_space<hbm>> -> memref<6x32xi32, #tpu.memory_space<hbm>>
      tpu.enqueue_dma source(%dma_start3A_332 : memref<6x32xi32, #tpu.memory_space<hbm>>) target(%arg5 : memref<6x32xi32, #tpu.memory_space<vmem>>) target_semaphore(%run_scoped3A : memref<!tpu.dma_semaphore, #tpu.memory_space<semaphore_mem>>)
      %dma_wait3A_333 = arith.constant 0 : i32
      %dma_wait3A_334 = arith.constant 0 : i32
      %dma_wait3A_335 = tpu.memref_slice %arg3[%add3A, %dma_wait3A_333, %dma_wait3A_334] : memref<32x6x32xi32, #tpu.memory_space<hbm>> -> memref<1x6x32xi32, #tpu.memory_space<hbm>>
      %dma_wait3A_336 = tpu.memref_squeeze %dma_wait3A_335 : memref<1x6x32xi32, #tpu.memory_space<hbm>> -> memref<6x32xi32, #tpu.memory_space<hbm>>
      %dma_wait3A_337 = arith.constant 0 : i32
      %dma_wait3A_338 = arith.constant 0 : i32
      %dma_wait3A_339 = tpu.memref_slice %arg3[%add3A, %dma_wait3A_337, %dma_wait3A_338] : memref<32x6x32xi32, #tpu.memory_space<hbm>> -> memref<1x6x32xi32, #tpu.memory_space<hbm>>
      %dma_wait3A_340 = tpu.memref_squeeze %dma_wait3A_339 : memref<1x6x32xi32, #tpu.memory_space<hbm>> -> memref<6x32xi32, #tpu.memory_space<hbm>>
      tpu.wait_dma2 semaphore(%run_scoped3A : memref<!tpu.dma_semaphore, #tpu.memory_space<semaphore_mem>>) src(%dma_wait3A_340 : memref<6x32xi32, #tpu.memory_space<hbm>>) dst(%arg5 : memref<6x32xi32, #tpu.memory_space<vmem>>)
      tpu.yield
    }) : () -> ()
    %dma_start3A = arith.constant 0 : i32
    %dma_start3A_3 = arith.constant 0 : i32
    %dma_start3A_4 = arith.constant 0 : i32
    %dma_start3A_5 = arith.constant 0 : i32
    %dma_start3A_6 = tpu.memref_slice %arg6[%dma_start3A_3, %dma_start3A_4, %dma_start3A_5] : memref<2x32x1024xf32, #tpu.memory_space<vmem>> -> memref<1x32x1024xf32, #tpu.memory_space<vmem>>
    %dma_start3A_7 = tpu.memref_squeeze %dma_start3A_6 : memref<1x32x1024xf32, #tpu.memory_space<vmem>> -> memref<32x1024xf32, #tpu.memory_space<vmem>>
    %dma_start3A_8 = arith.constant 0 : i32
    %dma_start3A_9 = tpu.memref_slice %arg5[%dma_start3A, %dma_start3A_8] : memref<6x32xi32, #tpu.memory_space<vmem>> -> memref<1x32xi32, #tpu.memory_space<vmem>>
    %dma_start3A_10 = tpu.memref_squeeze %dma_start3A_9 : memref<1x32xi32, #tpu.memory_space<vmem>> -> memref<32xi32, #tpu.memory_space<vmem>>
    %dma_start3A_11 = arith.constant 0 : i32
    %dma_start3A_12 = arith.constant 0 : i32
    %dma_start3A_13 = tpu.memref_slice %arg2[%dma_start3A_11, %dma_start3A_12] : memref<4096x1024xf32, #tpu.memory_space<hbm>> -> memref<4096x1024xf32, #tpu.memory_space<hbm>>
    tpu.enqueue_indirect_dma source(%dma_start3A_13 : memref<4096x1024xf32, #tpu.memory_space<hbm>>) target(%dma_start3A_7 : memref<32x1024xf32, #tpu.memory_space<vmem>>) offsets(%dma_start3A_10 : memref<32xi32, #tpu.memory_space<vmem>>) semaphore(%arg7 : memref<!tpu.dma_semaphore, #tpu.memory_space<semaphore_mem>>)
    %dma_wait3A = arith.constant 0 : i32
    %dma_wait3A_14 = arith.constant 0 : i32
    %dma_wait3A_15 = arith.constant 0 : i32
    %dma_wait3A_16 = arith.constant 0 : i32
    %dma_wait3A_17 = tpu.memref_slice %arg6[%dma_wait3A_14, %dma_wait3A_15, %dma_wait3A_16] : memref<2x32x1024xf32, #tpu.memory_space<vmem>> -> memref<1x32x1024xf32, #tpu.memory_space<vmem>>
    %dma_wait3A_18 = tpu.memref_squeeze %dma_wait3A_17 : memref<1x32x1024xf32, #tpu.memory_space<vmem>> -> memref<32x1024xf32, #tpu.memory_space<vmem>>
    %dma_wait3A_19 = arith.constant 0 : i32
    %dma_wait3A_20 = tpu.memref_slice %arg5[%dma_wait3A, %dma_wait3A_19] : memref<6x32xi32, #tpu.memory_space<vmem>> -> memref<1x32xi32, #tpu.memory_space<vmem>>
    %dma_wait3A_21 = tpu.memref_squeeze %dma_wait3A_20 : memref<1x32xi32, #tpu.memory_space<vmem>> -> memref<32xi32, #tpu.memory_space<vmem>>
    %dma_wait3A_22 = arith.constant 0 : i32
    %dma_wait3A_23 = arith.constant 0 : i32
    %dma_wait3A_24 = tpu.memref_slice %arg2[%dma_wait3A_22, %dma_wait3A_23] : memref<4096x1024xf32, #tpu.memory_space<hbm>> -> memref<4096x1024xf32, #tpu.memory_space<hbm>>
    tpu.wait_indirect_dma semaphore(%arg7 : memref<!tpu.dma_semaphore, #tpu.memory_space<semaphore_mem>>) src(%dma_wait3A_24 : memref<4096x1024xf32, #tpu.memory_space<hbm>>) dst(%dma_wait3A_18 : memref<32x1024xf32, #tpu.memory_space<vmem>>)
    %dma_start3A_25 = arith.constant 1 : i32
    %dma_start3A_26 = arith.constant 1 : i32
    %dma_start3A_27 = arith.constant 0 : i32
    %dma_start3A_28 = arith.constant 0 : i32
    %dma_start3A_29 = tpu.memref_slice %arg6[%dma_start3A_26, %dma_start3A_27, %dma_start3A_28] : memref<2x32x1024xf32, #tpu.memory_space<vmem>> -> memref<1x32x1024xf32, #tpu.memory_space<vmem>>
    %dma_start3A_30 = tpu.memref_squeeze %dma_start3A_29 : memref<1x32x1024xf32, #tpu.memory_space<vmem>> -> memref<32x1024xf32, #tpu.memory_space<vmem>>
    %dma_start3A_31 = arith.constant 0 : i32
    %dma_start3A_32 = tpu.memref_slice %arg5[%dma_start3A_25, %dma_start3A_31] : memref<6x32xi32, #tpu.memory_space<vmem>> -> memref<1x32xi32, #tpu.memory_space<vmem>>
    %dma_start3A_33 = tpu.memref_squeeze %dma_start3A_32 : memref<1x32xi32, #tpu.memory_space<vmem>> -> memref<32xi32, #tpu.memory_space<vmem>>
    %dma_start3A_34 = arith.constant 0 : i32
    %dma_start3A_35 = arith.constant 0 : i32
    %dma_start3A_36 = tpu.memref_slice %arg2[%dma_start3A_34, %dma_start3A_35] : memref<4096x1024xf32, #tpu.memory_space<hbm>> -> memref<4096x1024xf32, #tpu.memory_space<hbm>>
    tpu.enqueue_indirect_dma source(%dma_start3A_36 : memref<4096x1024xf32, #tpu.memory_space<hbm>>) target(%dma_start3A_30 : memref<32x1024xf32, #tpu.memory_space<vmem>>) offsets(%dma_start3A_33 : memref<32xi32, #tpu.memory_space<vmem>>) semaphore(%arg8 : memref<!tpu.dma_semaphore, #tpu.memory_space<semaphore_mem>>)
    %add3A_37 = arith.constant 0 : i32
    %add3A_38 = arith.addi %mul3A_2, %add3A_37 : i32
    %mul3A_39 = arith.constant 32 : i32
    %mul3A_40 = arith.muli %add3A_38, %mul3A_39 : i32
    %dma_start3A_41 = arith.constant 0 : i32
    %dma_start3A_42 = arith.constant 0 : i32
    %dma_start3A_43 = arith.constant 0 : i32
    %dma_start3A_44 = tpu.memref_slice %arg6[%dma_start3A_41, %dma_start3A_42, %dma_start3A_43] : memref<2x32x1024xf32, #tpu.memory_space<vmem>> -> memref<1x32x1024xf32, #tpu.memory_space<vmem>>
    %dma_start3A_45 = tpu.memref_squeeze %dma_start3A_44 : memref<1x32x1024xf32, #tpu.memory_space<vmem>> -> memref<32x1024xf32, #tpu.memory_space<vmem>>
    %dma_start3A_46 = arith.constant 0 : i32
    %dma_start3A_47 = tpu.memref_slice %arg4[%mul3A_40, %dma_start3A_46] : memref<6144x1024xf32, #tpu.memory_space<hbm>> -> memref<32x1024xf32, #tpu.memory_space<hbm>>
    %dma_start3A_48 = arith.constant 0 : i32
    %dma_start3A_49 = tpu.memref_slice %arg4[%mul3A_40, %dma_start3A_48] : memref<6144x1024xf32, #tpu.memory_space<hbm>> -> memref<32x1024xf32, #tpu.memory_space<hbm>>
    %dma_start3A_50 = arith.constant 0 : i32
    %dma_start3A_51 = arith.constant 0 : i32
    %dma_start3A_52 = tpu.memref_slice %arg6[%dma_start3A_41, %dma_start3A_50, %dma_start3A_51] : memref<2x32x1024xf32, #tpu.memory_space<vmem>> -> memref<1x32x1024xf32, #tpu.memory_space<vmem>>
    %dma_start3A_53 = tpu.memref_squeeze %dma_start3A_52 : memref<1x32x1024xf32, #tpu.memory_space<vmem>> -> memref<32x1024xf32, #tpu.memory_space<vmem>>
    tpu.enqueue_dma source(%dma_start3A_53 : memref<32x1024xf32, #tpu.memory_space<vmem>>) target(%dma_start3A_49 : memref<32x1024xf32, #tpu.memory_space<hbm>>) target_semaphore(%arg9 : memref<!tpu.dma_semaphore, #tpu.memory_space<semaphore_mem>>)
    %dma_wait3A_54 = arith.constant 1 : i32
    %dma_wait3A_55 = arith.constant 1 : i32
    %dma_wait3A_56 = arith.constant 0 : i32
    %dma_wait3A_57 = arith.constant 0 : i32
    %dma_wait3A_58 = tpu.memref_slice %arg6[%dma_wait3A_55, %dma_wait3A_56, %dma_wait3A_57] : memref<2x32x1024xf32, #tpu.memory_space<vmem>> -> memref<1x32x1024xf32, #tpu.memory_space<vmem>>
    %dma_wait3A_59 = tpu.memref_squeeze %dma_wait3A_58 : memref<1x32x1024xf32, #tpu.memory_space<vmem>> -> memref<32x1024xf32, #tpu.memory_space<vmem>>
    %dma_wait3A_60 = arith.constant 0 : i32
    %dma_wait3A_61 = tpu.memref_slice %arg5[%dma_wait3A_54, %dma_wait3A_60] : memref<6x32xi32, #tpu.memory_space<vmem>> -> memref<1x32xi32, #tpu.memory_space<vmem>>
    %dma_wait3A_62 = tpu.memref_squeeze %dma_wait3A_61 : memref<1x32xi32, #tpu.memory_space<vmem>> -> memref<32xi32, #tpu.memory_space<vmem>>
    %dma_wait3A_63 = arith.constant 0 : i32
    %dma_wait3A_64 = arith.constant 0 : i32
    %dma_wait3A_65 = tpu.memref_slice %arg2[%dma_wait3A_63, %dma_wait3A_64] : memref<4096x1024xf32, #tpu.memory_space<hbm>> -> memref<4096x1024xf32, #tpu.memory_space<hbm>>
    tpu.wait_indirect_dma semaphore(%arg8 : memref<!tpu.dma_semaphore, #tpu.memory_space<semaphore_mem>>) src(%dma_wait3A_65 : memref<4096x1024xf32, #tpu.memory_space<hbm>>) dst(%dma_wait3A_59 : memref<32x1024xf32, #tpu.memory_space<vmem>>)
    %dma_wait3A_66 = arith.constant 0 : i32
    %dma_wait3A_67 = arith.constant 0 : i32
    %dma_wait3A_68 = arith.constant 0 : i32
    %dma_wait3A_69 = tpu.memref_slice %arg6[%dma_wait3A_66, %dma_wait3A_67, %dma_wait3A_68] : memref<2x32x1024xf32, #tpu.memory_space<vmem>> -> memref<1x32x1024xf32, #tpu.memory_space<vmem>>
    %dma_wait3A_70 = tpu.memref_squeeze %dma_wait3A_69 : memref<1x32x1024xf32, #tpu.memory_space<vmem>> -> memref<32x1024xf32, #tpu.memory_space<vmem>>
    %dma_wait3A_71 = arith.constant 0 : i32
    %dma_wait3A_72 = tpu.memref_slice %arg4[%mul3A_40, %dma_wait3A_71] : memref<6144x1024xf32, #tpu.memory_space<hbm>> -> memref<32x1024xf32, #tpu.memory_space<hbm>>
    %dma_wait3A_73 = arith.constant 0 : i32
    %dma_wait3A_74 = tpu.memref_slice %arg4[%mul3A_40, %dma_wait3A_73] : memref<6144x1024xf32, #tpu.memory_space<hbm>> -> memref<32x1024xf32, #tpu.memory_space<hbm>>
    %dma_wait3A_75 = arith.constant 0 : i32
    %dma_wait3A_76 = arith.constant 0 : i32
    %dma_wait3A_77 = tpu.memref_slice %arg6[%dma_wait3A_66, %dma_wait3A_75, %dma_wait3A_76] : memref<2x32x1024xf32, #tpu.memory_space<vmem>> -> memref<1x32x1024xf32, #tpu.memory_space<vmem>>
    %dma_wait3A_78 = tpu.memref_squeeze %dma_wait3A_77 : memref<1x32x1024xf32, #tpu.memory_space<vmem>> -> memref<32x1024xf32, #tpu.memory_space<vmem>>
    tpu.wait_dma2 semaphore(%arg9 : memref<!tpu.dma_semaphore, #tpu.memory_space<semaphore_mem>>) src(%dma_wait3A_78 : memref<32x1024xf32, #tpu.memory_space<vmem>>) dst(%dma_wait3A_74 : memref<32x1024xf32, #tpu.memory_space<hbm>>)
    %dma_start3A_79 = arith.constant 2 : i32
    %dma_start3A_80 = arith.constant 0 : i32
    %dma_start3A_81 = arith.constant 0 : i32
    %dma_start3A_82 = arith.constant 0 : i32
    %dma_start3A_83 = tpu.memref_slice %arg6[%dma_start3A_80, %dma_start3A_81, %dma_start3A_82] : memref<2x32x1024xf32, #tpu.memory_space<vmem>> -> memref<1x32x1024xf32, #tpu.memory_space<vmem>>
    %dma_start3A_84 = tpu.memref_squeeze %dma_start3A_83 : memref<1x32x1024xf32, #tpu.memory_space<vmem>> -> memref<32x1024xf32, #tpu.memory_space<vmem>>
    %dma_start3A_85 = arith.constant 0 : i32
    %dma_start3A_86 = tpu.memref_slice %arg5[%dma_start3A_79, %dma_start3A_85] : memref<6x32xi32, #tpu.memory_space<vmem>> -> memref<1x32xi32, #tpu.memory_space<vmem>>
    %dma_start3A_87 = tpu.memref_squeeze %dma_start3A_86 : memref<1x32xi32, #tpu.memory_space<vmem>> -> memref<32xi32, #tpu.memory_space<vmem>>
    %dma_start3A_88 = arith.constant 0 : i32
    %dma_start3A_89 = arith.constant 0 : i32
    %dma_start3A_90 = tpu.memref_slice %arg2[%dma_start3A_88, %dma_start3A_89] : memref<4096x1024xf32, #tpu.memory_space<hbm>> -> memref<4096x1024xf32, #tpu.memory_space<hbm>>
    tpu.enqueue_indirect_dma source(%dma_start3A_90 : memref<4096x1024xf32, #tpu.memory_space<hbm>>) target(%dma_start3A_84 : memref<32x1024xf32, #tpu.memory_space<vmem>>) offsets(%dma_start3A_87 : memref<32xi32, #tpu.memory_space<vmem>>) semaphore(%arg7 : memref<!tpu.dma_semaphore, #tpu.memory_space<semaphore_mem>>)
    %add3A_91 = arith.constant 1 : i32
    %add3A_92 = arith.addi %mul3A_2, %add3A_91 : i32
    %mul3A_93 = arith.constant 32 : i32
    %mul3A_94 = arith.muli %add3A_92, %mul3A_93 : i32
    %dma_start3A_95 = arith.constant 1 : i32
    %dma_start3A_96 = arith.constant 0 : i32
    %dma_start3A_97 = arith.constant 0 : i32
    %dma_start3A_98 = tpu.memref_slice %arg6[%dma_start3A_95, %dma_start3A_96, %dma_start3A_97] : memref<2x32x1024xf32, #tpu.memory_space<vmem>> -> memref<1x32x1024xf32, #tpu.memory_space<vmem>>
    %dma_start3A_99 = tpu.memref_squeeze %dma_start3A_98 : memref<1x32x1024xf32, #tpu.memory_space<vmem>> -> memref<32x1024xf32, #tpu.memory_space<vmem>>
    %dma_start3A_100 = arith.constant 0 : i32
    %dma_start3A_101 = tpu.memref_slice %arg4[%mul3A_94, %dma_start3A_100] : memref<6144x1024xf32, #tpu.memory_space<hbm>> -> memref<32x1024xf32, #tpu.memory_space<hbm>>
    %dma_start3A_102 = arith.constant 0 : i32
    %dma_start3A_103 = tpu.memref_slice %arg4[%mul3A_94, %dma_start3A_102] : memref<6144x1024xf32, #tpu.memory_space<hbm>> -> memref<32x1024xf32, #tpu.memory_space<hbm>>
    %dma_start3A_104 = arith.constant 0 : i32
    %dma_start3A_105 = arith.constant 0 : i32
    %dma_start3A_106 = tpu.memref_slice %arg6[%dma_start3A_95, %dma_start3A_104, %dma_start3A_105] : memref<2x32x1024xf32, #tpu.memory_space<vmem>> -> memref<1x32x1024xf32, #tpu.memory_space<vmem>>
    %dma_start3A_107 = tpu.memref_squeeze %dma_start3A_106 : memref<1x32x1024xf32, #tpu.memory_space<vmem>> -> memref<32x1024xf32, #tpu.memory_space<vmem>>
    tpu.enqueue_dma source(%dma_start3A_107 : memref<32x1024xf32, #tpu.memory_space<vmem>>) target(%dma_start3A_103 : memref<32x1024xf32, #tpu.memory_space<hbm>>) target_semaphore(%arg10 : memref<!tpu.dma_semaphore, #tpu.memory_space<semaphore_mem>>)
    %dma_wait3A_108 = arith.constant 2 : i32
    %dma_wait3A_109 = arith.constant 0 : i32
    %dma_wait3A_110 = arith.constant 0 : i32
    %dma_wait3A_111 = arith.constant 0 : i32
    %dma_wait3A_112 = tpu.memref_slice %arg6[%dma_wait3A_109, %dma_wait3A_110, %dma_wait3A_111] : memref<2x32x1024xf32, #tpu.memory_space<vmem>> -> memref<1x32x1024xf32, #tpu.memory_space<vmem>>
    %dma_wait3A_113 = tpu.memref_squeeze %dma_wait3A_112 : memref<1x32x1024xf32, #tpu.memory_space<vmem>> -> memref<32x1024xf32, #tpu.memory_space<vmem>>
    %dma_wait3A_114 = arith.constant 0 : i32
    %dma_wait3A_115 = tpu.memref_slice %arg5[%dma_wait3A_108, %dma_wait3A_114] : memref<6x32xi32, #tpu.memory_space<vmem>> -> memref<1x32xi32, #tpu.memory_space<vmem>>
    %dma_wait3A_116 = tpu.memref_squeeze %dma_wait3A_115 : memref<1x32xi32, #tpu.memory_space<vmem>> -> memref<32xi32, #tpu.memory_space<vmem>>
    %dma_wait3A_117 = arith.constant 0 : i32
    %dma_wait3A_118 = arith.constant 0 : i32
    %dma_wait3A_119 = tpu.memref_slice %arg2[%dma_wait3A_117, %dma_wait3A_118] : memref<4096x1024xf32, #tpu.memory_space<hbm>> -> memref<4096x1024xf32, #tpu.memory_space<hbm>>
    tpu.wait_indirect_dma semaphore(%arg7 : memref<!tpu.dma_semaphore, #tpu.memory_space<semaphore_mem>>) src(%dma_wait3A_119 : memref<4096x1024xf32, #tpu.memory_space<hbm>>) dst(%dma_wait3A_113 : memref<32x1024xf32, #tpu.memory_space<vmem>>)
    %dma_wait3A_120 = arith.constant 1 : i32
    %dma_wait3A_121 = arith.constant 0 : i32
    %dma_wait3A_122 = arith.constant 0 : i32
    %dma_wait3A_123 = tpu.memref_slice %arg6[%dma_wait3A_120, %dma_wait3A_121, %dma_wait3A_122] : memref<2x32x1024xf32, #tpu.memory_space<vmem>> -> memref<1x32x1024xf32, #tpu.memory_space<vmem>>
    %dma_wait3A_124 = tpu.memref_squeeze %dma_wait3A_123 : memref<1x32x1024xf32, #tpu.memory_space<vmem>> -> memref<32x1024xf32, #tpu.memory_space<vmem>>
    %dma_wait3A_125 = arith.constant 0 : i32
    %dma_wait3A_126 = tpu.memref_slice %arg4[%mul3A_94, %dma_wait3A_125] : memref<6144x1024xf32, #tpu.memory_space<hbm>> -> memref<32x1024xf32, #tpu.memory_space<hbm>>
    %dma_wait3A_127 = arith.constant 0 : i32
    %dma_wait3A_128 = tpu.memref_slice %arg4[%mul3A_94, %dma_wait3A_127] : memref<6144x1024xf32, #tpu.memory_space<hbm>> -> memref<32x1024xf32, #tpu.memory_space<hbm>>
    %dma_wait3A_129 = arith.constant 0 : i32
    %dma_wait3A_130 = arith.constant 0 : i32
    %dma_wait3A_131 = tpu.memref_slice %arg6[%dma_wait3A_120, %dma_wait3A_129, %dma_wait3A_130] : memref<2x32x1024xf32, #tpu.memory_space<vmem>> -> memref<1x32x1024xf32, #tpu.memory_space<vmem>>
    %dma_wait3A_132 = tpu.memref_squeeze %dma_wait3A_131 : memref<1x32x1024xf32, #tpu.memory_space<vmem>> -> memref<32x1024xf32, #tpu.memory_space<vmem>>
    tpu.wait_dma2 semaphore(%arg10 : memref<!tpu.dma_semaphore, #tpu.memory_space<semaphore_mem>>) src(%dma_wait3A_132 : memref<32x1024xf32, #tpu.memory_space<vmem>>) dst(%dma_wait3A_128 : memref<32x1024xf32, #tpu.memory_space<hbm>>)
    %dma_start3A_133 = arith.constant 3 : i32
    %dma_start3A_134 = arith.constant 1 : i32
    %dma_start3A_135 = arith.constant 0 : i32
    %dma_start3A_136 = arith.constant 0 : i32
    %dma_start3A_137 = tpu.memref_slice %arg6[%dma_start3A_134, %dma_start3A_135, %dma_start3A_136] : memref<2x32x1024xf32, #tpu.memory_space<vmem>> -> memref<1x32x1024xf32, #tpu.memory_space<vmem>>
    %dma_start3A_138 = tpu.memref_squeeze %dma_start3A_137 : memref<1x32x1024xf32, #tpu.memory_space<vmem>> -> memref<32x1024xf32, #tpu.memory_space<vmem>>
    %dma_start3A_139 = arith.constant 0 : i32
    %dma_start3A_140 = tpu.memref_slice %arg5[%dma_start3A_133, %dma_start3A_139] : memref<6x32xi32, #tpu.memory_space<vmem>> -> memref<1x32xi32, #tpu.memory_space<vmem>>
    %dma_start3A_141 = tpu.memref_squeeze %dma_start3A_140 : memref<1x32xi32, #tpu.memory_space<vmem>> -> memref<32xi32, #tpu.memory_space<vmem>>
    %dma_start3A_142 = arith.constant 0 : i32
    %dma_start3A_143 = arith.constant 0 : i32
    %dma_start3A_144 = tpu.memref_slice %arg2[%dma_start3A_142, %dma_start3A_143] : memref<4096x1024xf32, #tpu.memory_space<hbm>> -> memref<4096x1024xf32, #tpu.memory_space<hbm>>
    tpu.enqueue_indirect_dma source(%dma_start3A_144 : memref<4096x1024xf32, #tpu.memory_space<hbm>>) target(%dma_start3A_138 : memref<32x1024xf32, #tpu.memory_space<vmem>>) offsets(%dma_start3A_141 : memref<32xi32, #tpu.memory_space<vmem>>) semaphore(%arg8 : memref<!tpu.dma_semaphore, #tpu.memory_space<semaphore_mem>>)
    %add3A_145 = arith.constant 2 : i32
    %add3A_146 = arith.addi %mul3A_2, %add3A_145 : i32
    %mul3A_147 = arith.constant 32 : i32
    %mul3A_148 = arith.muli %add3A_146, %mul3A_147 : i32
    %dma_start3A_149 = arith.constant 0 : i32
    %dma_start3A_150 = arith.constant 0 : i32
    %dma_start3A_151 = arith.constant 0 : i32
    %dma_start3A_152 = tpu.memref_slice %arg6[%dma_start3A_149, %dma_start3A_150, %dma_start3A_151] : memref<2x32x1024xf32, #tpu.memory_space<vmem>> -> memref<1x32x1024xf32, #tpu.memory_space<vmem>>
    %dma_start3A_153 = tpu.memref_squeeze %dma_start3A_152 : memref<1x32x1024xf32, #tpu.memory_space<vmem>> -> memref<32x1024xf32, #tpu.memory_space<vmem>>
    %dma_start3A_154 = arith.constant 0 : i32
    %dma_start3A_155 = tpu.memref_slice %arg4[%mul3A_148, %dma_start3A_154] : memref<6144x1024xf32, #tpu.memory_space<hbm>> -> memref<32x1024xf32, #tpu.memory_space<hbm>>
    %dma_start3A_156 = arith.constant 0 : i32
    %dma_start3A_157 = tpu.memref_slice %arg4[%mul3A_148, %dma_start3A_156] : memref<6144x1024xf32, #tpu.memory_space<hbm>> -> memref<32x1024xf32, #tpu.memory_space<hbm>>
    %dma_start3A_158 = arith.constant 0 : i32
    %dma_start3A_159 = arith.constant 0 : i32
    %dma_start3A_160 = tpu.memref_slice %arg6[%dma_start3A_149, %dma_start3A_158, %dma_start3A_159] : memref<2x32x1024xf32, #tpu.memory_space<vmem>> -> memref<1x32x1024xf32, #tpu.memory_space<vmem>>
    %dma_start3A_161 = tpu.memref_squeeze %dma_start3A_160 : memref<1x32x1024xf32, #tpu.memory_space<vmem>> -> memref<32x1024xf32, #tpu.memory_space<vmem>>
    tpu.enqueue_dma source(%dma_start3A_161 : memref<32x1024xf32, #tpu.memory_space<vmem>>) target(%dma_start3A_157 : memref<32x1024xf32, #tpu.memory_space<hbm>>) target_semaphore(%arg9 : memref<!tpu.dma_semaphore, #tpu.memory_space<semaphore_mem>>)
    %dma_wait3A_162 = arith.constant 3 : i32
    %dma_wait3A_163 = arith.constant 1 : i32
    %dma_wait3A_164 = arith.constant 0 : i32
    %dma_wait3A_165 = arith.constant 0 : i32
    %dma_wait3A_166 = tpu.memref_slice %arg6[%dma_wait3A_163, %dma_wait3A_164, %dma_wait3A_165] : memref<2x32x1024xf32, #tpu.memory_space<vmem>> -> memref<1x32x1024xf32, #tpu.memory_space<vmem>>
    %dma_wait3A_167 = tpu.memref_squeeze %dma_wait3A_166 : memref<1x32x1024xf32, #tpu.memory_space<vmem>> -> memref<32x1024xf32, #tpu.memory_space<vmem>>
    %dma_wait3A_168 = arith.constant 0 : i32
    %dma_wait3A_169 = tpu.memref_slice %arg5[%dma_wait3A_162, %dma_wait3A_168] : memref<6x32xi32, #tpu.memory_space<vmem>> -> memref<1x32xi32, #tpu.memory_space<vmem>>
    %dma_wait3A_170 = tpu.memref_squeeze %dma_wait3A_169 : memref<1x32xi32, #tpu.memory_space<vmem>> -> memref<32xi32, #tpu.memory_space<vmem>>
    %dma_wait3A_171 = arith.constant 0 : i32
    %dma_wait3A_172 = arith.constant 0 : i32
    %dma_wait3A_173 = tpu.memref_slice %arg2[%dma_wait3A_171, %dma_wait3A_172] : memref<4096x1024xf32, #tpu.memory_space<hbm>> -> memref<4096x1024xf32, #tpu.memory_space<hbm>>
    tpu.wait_indirect_dma semaphore(%arg8 : memref<!tpu.dma_semaphore, #tpu.memory_space<semaphore_mem>>) src(%dma_wait3A_173 : memref<4096x1024xf32, #tpu.memory_space<hbm>>) dst(%dma_wait3A_167 : memref<32x1024xf32, #tpu.memory_space<vmem>>)
    %dma_wait3A_174 = arith.constant 0 : i32
    %dma_wait3A_175 = arith.constant 0 : i32
    %dma_wait3A_176 = arith.constant 0 : i32
    %dma_wait3A_177 = tpu.memref_slice %arg6[%dma_wait3A_174, %dma_wait3A_175, %dma_wait3A_176] : memref<2x32x1024xf32, #tpu.memory_space<vmem>> -> memref<1x32x1024xf32, #tpu.memory_space<vmem>>
    %dma_wait3A_178 = tpu.memref_squeeze %dma_wait3A_177 : memref<1x32x1024xf32, #tpu.memory_space<vmem>> -> memref<32x1024xf32, #tpu.memory_space<vmem>>
    %dma_wait3A_179 = arith.constant 0 : i32
    %dma_wait3A_180 = tpu.memref_slice %arg4[%mul3A_148, %dma_wait3A_179] : memref<6144x1024xf32, #tpu.memory_space<hbm>> -> memref<32x1024xf32, #tpu.memory_space<hbm>>
    %dma_wait3A_181 = arith.constant 0 : i32
    %dma_wait3A_182 = tpu.memref_slice %arg4[%mul3A_148, %dma_wait3A_181] : memref<6144x1024xf32, #tpu.memory_space<hbm>> -> memref<32x1024xf32, #tpu.memory_space<hbm>>
    %dma_wait3A_183 = arith.constant 0 : i32
    %dma_wait3A_184 = arith.constant 0 : i32
    %dma_wait3A_185 = tpu.memref_slice %arg6[%dma_wait3A_174, %dma_wait3A_183, %dma_wait3A_184] : memref<2x32x1024xf32, #tpu.memory_space<vmem>> -> memref<1x32x1024xf32, #tpu.memory_space<vmem>>
    %dma_wait3A_186 = tpu.memref_squeeze %dma_wait3A_185 : memref<1x32x1024xf32, #tpu.memory_space<vmem>> -> memref<32x1024xf32, #tpu.memory_space<vmem>>
    tpu.wait_dma2 semaphore(%arg9 : memref<!tpu.dma_semaphore, #tpu.memory_space<semaphore_mem>>) src(%dma_wait3A_186 : memref<32x1024xf32, #tpu.memory_space<vmem>>) dst(%dma_wait3A_182 : memref<32x1024xf32, #tpu.memory_space<hbm>>)
    %dma_start3A_187 = arith.constant 4 : i32
    %dma_start3A_188 = arith.constant 0 : i32
    %dma_start3A_189 = arith.constant 0 : i32
    %dma_start3A_190 = arith.constant 0 : i32
    %dma_start3A_191 = tpu.memref_slice %arg6[%dma_start3A_188, %dma_start3A_189, %dma_start3A_190] : memref<2x32x1024xf32, #tpu.memory_space<vmem>> -> memref<1x32x1024xf32, #tpu.memory_space<vmem>>
    %dma_start3A_192 = tpu.memref_squeeze %dma_start3A_191 : memref<1x32x1024xf32, #tpu.memory_space<vmem>> -> memref<32x1024xf32, #tpu.memory_space<vmem>>
    %dma_start3A_193 = arith.constant 0 : i32
    %dma_start3A_194 = tpu.memref_slice %arg5[%dma_start3A_187, %dma_start3A_193] : memref<6x32xi32, #tpu.memory_space<vmem>> -> memref<1x32xi32, #tpu.memory_space<vmem>>
    %dma_start3A_195 = tpu.memref_squeeze %dma_start3A_194 : memref<1x32xi32, #tpu.memory_space<vmem>> -> memref<32xi32, #tpu.memory_space<vmem>>
    %dma_start3A_196 = arith.constant 0 : i32
    %dma_start3A_197 = arith.constant 0 : i32
    %dma_start3A_198 = tpu.memref_slice %arg2[%dma_start3A_196, %dma_start3A_197] : memref<4096x1024xf32, #tpu.memory_space<hbm>> -> memref<4096x1024xf32, #tpu.memory_space<hbm>>
    tpu.enqueue_indirect_dma source(%dma_start3A_198 : memref<4096x1024xf32, #tpu.memory_space<hbm>>) target(%dma_start3A_192 : memref<32x1024xf32, #tpu.memory_space<vmem>>) offsets(%dma_start3A_195 : memref<32xi32, #tpu.memory_space<vmem>>) semaphore(%arg7 : memref<!tpu.dma_semaphore, #tpu.memory_space<semaphore_mem>>)
    %add3A_199 = arith.constant 3 : i32
    %add3A_200 = arith.addi %mul3A_2, %add3A_199 : i32
    %mul3A_201 = arith.constant 32 : i32
    %mul3A_202 = arith.muli %add3A_200, %mul3A_201 : i32
    %dma_start3A_203 = arith.constant 1 : i32
    %dma_start3A_204 = arith.constant 0 : i32
    %dma_start3A_205 = arith.constant 0 : i32
    %dma_start3A_206 = tpu.memref_slice %arg6[%dma_start3A_203, %dma_start3A_204, %dma_start3A_205] : memref<2x32x1024xf32, #tpu.memory_space<vmem>> -> memref<1x32x1024xf32, #tpu.memory_space<vmem>>
    %dma_start3A_207 = tpu.memref_squeeze %dma_start3A_206 : memref<1x32x1024xf32, #tpu.memory_space<vmem>> -> memref<32x1024xf32, #tpu.memory_space<vmem>>
    %dma_start3A_208 = arith.constant 0 : i32
    %dma_start3A_209 = tpu.memref_slice %arg4[%mul3A_202, %dma_start3A_208] : memref<6144x1024xf32, #tpu.memory_space<hbm>> -> memref<32x1024xf32, #tpu.memory_space<hbm>>
    %dma_start3A_210 = arith.constant 0 : i32
    %dma_start3A_211 = tpu.memref_slice %arg4[%mul3A_202, %dma_start3A_210] : memref<6144x1024xf32, #tpu.memory_space<hbm>> -> memref<32x1024xf32, #tpu.memory_space<hbm>>
    %dma_start3A_212 = arith.constant 0 : i32
    %dma_start3A_213 = arith.constant 0 : i32
    %dma_start3A_214 = tpu.memref_slice %arg6[%dma_start3A_203, %dma_start3A_212, %dma_start3A_213] : memref<2x32x1024xf32, #tpu.memory_space<vmem>> -> memref<1x32x1024xf32, #tpu.memory_space<vmem>>
    %dma_start3A_215 = tpu.memref_squeeze %dma_start3A_214 : memref<1x32x1024xf32, #tpu.memory_space<vmem>> -> memref<32x1024xf32, #tpu.memory_space<vmem>>
    tpu.enqueue_dma source(%dma_start3A_215 : memref<32x1024xf32, #tpu.memory_space<vmem>>) target(%dma_start3A_211 : memref<32x1024xf32, #tpu.memory_space<hbm>>) target_semaphore(%arg10 : memref<!tpu.dma_semaphore, #tpu.memory_space<semaphore_mem>>)
    %dma_wait3A_216 = arith.constant 4 : i32
    %dma_wait3A_217 = arith.constant 0 : i32
    %dma_wait3A_218 = arith.constant 0 : i32
    %dma_wait3A_219 = arith.constant 0 : i32
    %dma_wait3A_220 = tpu.memref_slice %arg6[%dma_wait3A_217, %dma_wait3A_218, %dma_wait3A_219] : memref<2x32x1024xf32, #tpu.memory_space<vmem>> -> memref<1x32x1024xf32, #tpu.memory_space<vmem>>
    %dma_wait3A_221 = tpu.memref_squeeze %dma_wait3A_220 : memref<1x32x1024xf32, #tpu.memory_space<vmem>> -> memref<32x1024xf32, #tpu.memory_space<vmem>>
    %dma_wait3A_222 = arith.constant 0 : i32
    %dma_wait3A_223 = tpu.memref_slice %arg5[%dma_wait3A_216, %dma_wait3A_222] : memref<6x32xi32, #tpu.memory_space<vmem>> -> memref<1x32xi32, #tpu.memory_space<vmem>>
    %dma_wait3A_224 = tpu.memref_squeeze %dma_wait3A_223 : memref<1x32xi32, #tpu.memory_space<vmem>> -> memref<32xi32, #tpu.memory_space<vmem>>
    %dma_wait3A_225 = arith.constant 0 : i32
    %dma_wait3A_226 = arith.constant 0 : i32
    %dma_wait3A_227 = tpu.memref_slice %arg2[%dma_wait3A_225, %dma_wait3A_226] : memref<4096x1024xf32, #tpu.memory_space<hbm>> -> memref<4096x1024xf32, #tpu.memory_space<hbm>>
    tpu.wait_indirect_dma semaphore(%arg7 : memref<!tpu.dma_semaphore, #tpu.memory_space<semaphore_mem>>) src(%dma_wait3A_227 : memref<4096x1024xf32, #tpu.memory_space<hbm>>) dst(%dma_wait3A_221 : memref<32x1024xf32, #tpu.memory_space<vmem>>)
    %dma_wait3A_228 = arith.constant 1 : i32
    %dma_wait3A_229 = arith.constant 0 : i32
    %dma_wait3A_230 = arith.constant 0 : i32
    %dma_wait3A_231 = tpu.memref_slice %arg6[%dma_wait3A_228, %dma_wait3A_229, %dma_wait3A_230] : memref<2x32x1024xf32, #tpu.memory_space<vmem>> -> memref<1x32x1024xf32, #tpu.memory_space<vmem>>
    %dma_wait3A_232 = tpu.memref_squeeze %dma_wait3A_231 : memref<1x32x1024xf32, #tpu.memory_space<vmem>> -> memref<32x1024xf32, #tpu.memory_space<vmem>>
    %dma_wait3A_233 = arith.constant 0 : i32
    %dma_wait3A_234 = tpu.memref_slice %arg4[%mul3A_202, %dma_wait3A_233] : memref<6144x1024xf32, #tpu.memory_space<hbm>> -> memref<32x1024xf32, #tpu.memory_space<hbm>>
    %dma_wait3A_235 = arith.constant 0 : i32
    %dma_wait3A_236 = tpu.memref_slice %arg4[%mul3A_202, %dma_wait3A_235] : memref<6144x1024xf32, #tpu.memory_space<hbm>> -> memref<32x1024xf32, #tpu.memory_space<hbm>>
    %dma_wait3A_237 = arith.constant 0 : i32
    %dma_wait3A_238 = arith.constant 0 : i32
    %dma_wait3A_239 = tpu.memref_slice %arg6[%dma_wait3A_228, %dma_wait3A_237, %dma_wait3A_238] : memref<2x32x1024xf32, #tpu.memory_space<vmem>> -> memref<1x32x1024xf32, #tpu.memory_space<vmem>>
    %dma_wait3A_240 = tpu.memref_squeeze %dma_wait3A_239 : memref<1x32x1024xf32, #tpu.memory_space<vmem>> -> memref<32x1024xf32, #tpu.memory_space<vmem>>
    tpu.wait_dma2 semaphore(%arg10 : memref<!tpu.dma_semaphore, #tpu.memory_space<semaphore_mem>>) src(%dma_wait3A_240 : memref<32x1024xf32, #tpu.memory_space<vmem>>) dst(%dma_wait3A_236 : memref<32x1024xf32, #tpu.memory_space<hbm>>)
    %dma_start3A_241 = arith.constant 5 : i32
    %dma_start3A_242 = arith.constant 1 : i32
    %dma_start3A_243 = arith.constant 0 : i32
    %dma_start3A_244 = arith.constant 0 : i32
    %dma_start3A_245 = tpu.memref_slice %arg6[%dma_start3A_242, %dma_start3A_243, %dma_start3A_244] : memref<2x32x1024xf32, #tpu.memory_space<vmem>> -> memref<1x32x1024xf32, #tpu.memory_space<vmem>>
    %dma_start3A_246 = tpu.memref_squeeze %dma_start3A_245 : memref<1x32x1024xf32, #tpu.memory_space<vmem>> -> memref<32x1024xf32, #tpu.memory_space<vmem>>
    %dma_start3A_247 = arith.constant 0 : i32
    %dma_start3A_248 = tpu.memref_slice %arg5[%dma_start3A_241, %dma_start3A_247] : memref<6x32xi32, #tpu.memory_space<vmem>> -> memref<1x32xi32, #tpu.memory_space<vmem>>
    %dma_start3A_249 = tpu.memref_squeeze %dma_start3A_248 : memref<1x32xi32, #tpu.memory_space<vmem>> -> memref<32xi32, #tpu.memory_space<vmem>>
    %dma_start3A_250 = arith.constant 0 : i32
    %dma_start3A_251 = arith.constant 0 : i32
    %dma_start3A_252 = tpu.memref_slice %arg2[%dma_start3A_250, %dma_start3A_251] : memref<4096x1024xf32, #tpu.memory_space<hbm>> -> memref<4096x1024xf32, #tpu.memory_space<hbm>>
    tpu.enqueue_indirect_dma source(%dma_start3A_252 : memref<4096x1024xf32, #tpu.memory_space<hbm>>) target(%dma_start3A_246 : memref<32x1024xf32, #tpu.memory_space<vmem>>) offsets(%dma_start3A_249 : memref<32xi32, #tpu.memory_space<vmem>>) semaphore(%arg8 : memref<!tpu.dma_semaphore, #tpu.memory_space<semaphore_mem>>)
    %add3A_253 = arith.constant 4 : i32
    %add3A_254 = arith.addi %mul3A_2, %add3A_253 : i32
    %mul3A_255 = arith.constant 32 : i32
    %mul3A_256 = arith.muli %add3A_254, %mul3A_255 : i32
    %dma_start3A_257 = arith.constant 0 : i32
    %dma_start3A_258 = arith.constant 0 : i32
    %dma_start3A_259 = arith.constant 0 : i32
    %dma_start3A_260 = tpu.memref_slice %arg6[%dma_start3A_257, %dma_start3A_258, %dma_start3A_259] : memref<2x32x1024xf32, #tpu.memory_space<vmem>> -> memref<1x32x1024xf32, #tpu.memory_space<vmem>>
    %dma_start3A_261 = tpu.memref_squeeze %dma_start3A_260 : memref<1x32x1024xf32, #tpu.memory_space<vmem>> -> memref<32x1024xf32, #tpu.memory_space<vmem>>
    %dma_start3A_262 = arith.constant 0 : i32
    %dma_start3A_263 = tpu.memref_slice %arg4[%mul3A_256, %dma_start3A_262] : memref<6144x1024xf32, #tpu.memory_space<hbm>> -> memref<32x1024xf32, #tpu.memory_space<hbm>>
    %dma_start3A_264 = arith.constant 0 : i32
    %dma_start3A_265 = tpu.memref_slice %arg4[%mul3A_256, %dma_start3A_264] : memref<6144x1024xf32, #tpu.memory_space<hbm>> -> memref<32x1024xf32, #tpu.memory_space<hbm>>
    %dma_start3A_266 = arith.constant 0 : i32
    %dma_start3A_267 = arith.constant 0 : i32
    %dma_start3A_268 = tpu.memref_slice %arg6[%dma_start3A_257, %dma_start3A_266, %dma_start3A_267] : memref<2x32x1024xf32, #tpu.memory_space<vmem>> -> memref<1x32x1024xf32, #tpu.memory_space<vmem>>
    %dma_start3A_269 = tpu.memref_squeeze %dma_start3A_268 : memref<1x32x1024xf32, #tpu.memory_space<vmem>> -> memref<32x1024xf32, #tpu.memory_space<vmem>>
    tpu.enqueue_dma source(%dma_start3A_269 : memref<32x1024xf32, #tpu.memory_space<vmem>>) target(%dma_start3A_265 : memref<32x1024xf32, #tpu.memory_space<hbm>>) target_semaphore(%arg9 : memref<!tpu.dma_semaphore, #tpu.memory_space<semaphore_mem>>)
    %dma_wait3A_270 = arith.constant 5 : i32
    %dma_wait3A_271 = arith.constant 1 : i32
    %dma_wait3A_272 = arith.constant 0 : i32
    %dma_wait3A_273 = arith.constant 0 : i32
    %dma_wait3A_274 = tpu.memref_slice %arg6[%dma_wait3A_271, %dma_wait3A_272, %dma_wait3A_273] : memref<2x32x1024xf32, #tpu.memory_space<vmem>> -> memref<1x32x1024xf32, #tpu.memory_space<vmem>>
    %dma_wait3A_275 = tpu.memref_squeeze %dma_wait3A_274 : memref<1x32x1024xf32, #tpu.memory_space<vmem>> -> memref<32x1024xf32, #tpu.memory_space<vmem>>
    %dma_wait3A_276 = arith.constant 0 : i32
    %dma_wait3A_277 = tpu.memref_slice %arg5[%dma_wait3A_270, %dma_wait3A_276] : memref<6x32xi32, #tpu.memory_space<vmem>> -> memref<1x32xi32, #tpu.memory_space<vmem>>
    %dma_wait3A_278 = tpu.memref_squeeze %dma_wait3A_277 : memref<1x32xi32, #tpu.memory_space<vmem>> -> memref<32xi32, #tpu.memory_space<vmem>>
    %dma_wait3A_279 = arith.constant 0 : i32
    %dma_wait3A_280 = arith.constant 0 : i32
    %dma_wait3A_281 = tpu.memref_slice %arg2[%dma_wait3A_279, %dma_wait3A_280] : memref<4096x1024xf32, #tpu.memory_space<hbm>> -> memref<4096x1024xf32, #tpu.memory_space<hbm>>
    tpu.wait_indirect_dma semaphore(%arg8 : memref<!tpu.dma_semaphore, #tpu.memory_space<semaphore_mem>>) src(%dma_wait3A_281 : memref<4096x1024xf32, #tpu.memory_space<hbm>>) dst(%dma_wait3A_275 : memref<32x1024xf32, #tpu.memory_space<vmem>>)
    %add3A_282 = arith.constant 5 : i32
    %add3A_283 = arith.addi %mul3A_2, %add3A_282 : i32
    %mul3A_284 = arith.constant 32 : i32
    %mul3A_285 = arith.muli %add3A_283, %mul3A_284 : i32
    %dma_start3A_286 = arith.constant 1 : i32
    %dma_start3A_287 = arith.constant 0 : i32
    %dma_start3A_288 = arith.constant 0 : i32
    %dma_start3A_289 = tpu.memref_slice %arg6[%dma_start3A_286, %dma_start3A_287, %dma_start3A_288] : memref<2x32x1024xf32, #tpu.memory_space<vmem>> -> memref<1x32x1024xf32, #tpu.memory_space<vmem>>
    %dma_start3A_290 = tpu.memref_squeeze %dma_start3A_289 : memref<1x32x1024xf32, #tpu.memory_space<vmem>> -> memref<32x1024xf32, #tpu.memory_space<vmem>>
    %dma_start3A_291 = arith.constant 0 : i32
    %dma_start3A_292 = tpu.memref_slice %arg4[%mul3A_285, %dma_start3A_291] : memref<6144x1024xf32, #tpu.memory_space<hbm>> -> memref<32x1024xf32, #tpu.memory_space<hbm>>
    %dma_start3A_293 = arith.constant 0 : i32
    %dma_start3A_294 = tpu.memref_slice %arg4[%mul3A_285, %dma_start3A_293] : memref<6144x1024xf32, #tpu.memory_space<hbm>> -> memref<32x1024xf32, #tpu.memory_space<hbm>>
    %dma_start3A_295 = arith.constant 0 : i32
    %dma_start3A_296 = arith.constant 0 : i32
    %dma_start3A_297 = tpu.memref_slice %arg6[%dma_start3A_286, %dma_start3A_295, %dma_start3A_296] : memref<2x32x1024xf32, #tpu.memory_space<vmem>> -> memref<1x32x1024xf32, #tpu.memory_space<vmem>>
    %dma_start3A_298 = tpu.memref_squeeze %dma_start3A_297 : memref<1x32x1024xf32, #tpu.memory_space<vmem>> -> memref<32x1024xf32, #tpu.memory_space<vmem>>
    tpu.enqueue_dma source(%dma_start3A_298 : memref<32x1024xf32, #tpu.memory_space<vmem>>) target(%dma_start3A_294 : memref<32x1024xf32, #tpu.memory_space<hbm>>) target_semaphore(%arg10 : memref<!tpu.dma_semaphore, #tpu.memory_space<semaphore_mem>>)
    %dma_wait3A_299 = arith.constant 0 : i32
    %dma_wait3A_300 = arith.constant 0 : i32
    %dma_wait3A_301 = arith.constant 0 : i32
    %dma_wait3A_302 = tpu.memref_slice %arg6[%dma_wait3A_299, %dma_wait3A_300, %dma_wait3A_301] : memref<2x32x1024xf32, #tpu.memory_space<vmem>> -> memref<1x32x1024xf32, #tpu.memory_space<vmem>>
    %dma_wait3A_303 = tpu.memref_squeeze %dma_wait3A_302 : memref<1x32x1024xf32, #tpu.memory_space<vmem>> -> memref<32x1024xf32, #tpu.memory_space<vmem>>
    %dma_wait3A_304 = arith.constant 0 : i32
    %dma_wait3A_305 = tpu.memref_slice %arg4[%mul3A_256, %dma_wait3A_304] : memref<6144x1024xf32, #tpu.memory_space<hbm>> -> memref<32x1024xf32, #tpu.memory_space<hbm>>
    %dma_wait3A_306 = arith.constant 0 : i32
    %dma_wait3A_307 = tpu.memref_slice %arg4[%mul3A_256, %dma_wait3A_306] : memref<6144x1024xf32, #tpu.memory_space<hbm>> -> memref<32x1024xf32, #tpu.memory_space<hbm>>
    %dma_wait3A_308 = arith.constant 0 : i32
    %dma_wait3A_309 = arith.constant 0 : i32
    %dma_wait3A_310 = tpu.memref_slice %arg6[%dma_wait3A_299, %dma_wait3A_308, %dma_wait3A_309] : memref<2x32x1024xf32, #tpu.memory_space<vmem>> -> memref<1x32x1024xf32, #tpu.memory_space<vmem>>
    %dma_wait3A_311 = tpu.memref_squeeze %dma_wait3A_310 : memref<1x32x1024xf32, #tpu.memory_space<vmem>> -> memref<32x1024xf32, #tpu.memory_space<vmem>>
    tpu.wait_dma2 semaphore(%arg9 : memref<!tpu.dma_semaphore, #tpu.memory_space<semaphore_mem>>) src(%dma_wait3A_311 : memref<32x1024xf32, #tpu.memory_space<vmem>>) dst(%dma_wait3A_307 : memref<32x1024xf32, #tpu.memory_space<hbm>>)
    %dma_wait3A_312 = arith.constant 1 : i32
    %dma_wait3A_313 = arith.constant 0 : i32
    %dma_wait3A_314 = arith.constant 0 : i32
    %dma_wait3A_315 = tpu.memref_slice %arg6[%dma_wait3A_312, %dma_wait3A_313, %dma_wait3A_314] : memref<2x32x1024xf32, #tpu.memory_space<vmem>> -> memref<1x32x1024xf32, #tpu.memory_space<vmem>>
    %dma_wait3A_316 = tpu.memref_squeeze %dma_wait3A_315 : memref<1x32x1024xf32, #tpu.memory_space<vmem>> -> memref<32x1024xf32, #tpu.memory_space<vmem>>
    %dma_wait3A_317 = arith.constant 0 : i32
    %dma_wait3A_318 = tpu.memref_slice %arg4[%mul3A_285, %dma_wait3A_317] : memref<6144x1024xf32, #tpu.memory_space<hbm>> -> memref<32x1024xf32, #tpu.memory_space<hbm>>
    %dma_wait3A_319 = arith.constant 0 : i32
    %dma_wait3A_320 = tpu.memref_slice %arg4[%mul3A_285, %dma_wait3A_319] : memref<6144x1024xf32, #tpu.memory_space<hbm>> -> memref<32x1024xf32, #tpu.memory_space<hbm>>
    %dma_wait3A_321 = arith.constant 0 : i32
    %dma_wait3A_322 = arith.constant 0 : i32
    %dma_wait3A_323 = tpu.memref_slice %arg6[%dma_wait3A_312, %dma_wait3A_321, %dma_wait3A_322] : memref<2x32x1024xf32, #tpu.memory_space<vmem>> -> memref<1x32x1024xf32, #tpu.memory_space<vmem>>
    %dma_wait3A_324 = tpu.memref_squeeze %dma_wait3A_323 : memref<1x32x1024xf32, #tpu.memory_space<vmem>> -> memref<32x1024xf32, #tpu.memory_space<vmem>>
    tpu.wait_dma2 semaphore(%arg10 : memref<!tpu.dma_semaphore, #tpu.memory_space<semaphore_mem>>) src(%dma_wait3A_324 : memref<32x1024xf32, #tpu.memory_space<vmem>>) dst(%dma_wait3A_320 : memref<32x1024xf32, #tpu.memory_space<hbm>>)
    return
  }
}

#map = affine_map<(d0, d1) -> (0, 0)>
#map1 = affine_map<(d0, d1) -> (0, 0, 0)>
module attributes {stable_mosaic.version = 14 : i64} {
  func.func @gather_kernel(%arg0: i32, %arg1: i32, %arg2: memref<6144x1024xf32, #tpu.memory_space<hbm>>, %arg3: memref<32x4x32xi32, #tpu.memory_space<hbm>>, %arg4: memref<4096x1024xf32, #tpu.memory_space<hbm>>, %arg5: memref<4x32xi32, #tpu.memory_space<vmem>>, %arg6: memref<2x32x1024xf32, #tpu.memory_space<vmem>>, %arg7: memref<!tpu.dma_semaphore, #tpu.memory_space<semaphore_mem>>, %arg8: memref<!tpu.dma_semaphore, #tpu.memory_space<semaphore_mem>>, %arg9: memref<!tpu.dma_semaphore, #tpu.memory_space<semaphore_mem>>, %arg10: memref<!tpu.dma_semaphore, #tpu.memory_space<semaphore_mem>>) attributes {dimension_semantics = [#tpu.dimension_semantics<core_parallel>, #tpu.dimension_semantics<subcore_parallel>], iteration_bounds = array<i64: 2, 16>, scalar_prefetch = 0 : i64, scratch_operands = 6 : i64, tpu.core_type = #tpu.core_type<sc_vector_subcore>, window_params = [{transform_indices = #map}, {transform_indices = #map1}, {transform_indices = #map}]} {
    %mul3A = arith.constant 2 : i32
    %mul3A_0 = arith.muli %arg1, %mul3A : i32
    %add3A = arith.addi %mul3A_0, %arg0 : i32
    %mul3A_1 = arith.constant 4 : i32
    %mul3A_2 = arith.muli %add3A, %mul3A_1 : i32
    "tpu.region"() ({
      %run_scoped3A = tpu.sem_alloc : memref<!tpu.dma_semaphore, #tpu.memory_space<semaphore_mem>>
      %dma_start3A_217 = arith.constant 0 : i32
      %dma_start3A_218 = arith.constant 0 : i32
      %dma_start3A_219 = tpu.memref_slice %arg3[%add3A, %dma_start3A_217, %dma_start3A_218] : memref<32x4x32xi32, #tpu.memory_space<hbm>> -> memref<1x4x32xi32, #tpu.memory_space<hbm>>
      %dma_start3A_220 = tpu.memref_squeeze %dma_start3A_219 : memref<1x4x32xi32, #tpu.memory_space<hbm>> -> memref<4x32xi32, #tpu.memory_space<hbm>>
      %dma_start3A_221 = arith.constant 0 : i32
      %dma_start3A_222 = arith.constant 0 : i32
      %dma_start3A_223 = tpu.memref_slice %arg3[%add3A, %dma_start3A_221, %dma_start3A_222] : memref<32x4x32xi32, #tpu.memory_space<hbm>> -> memref<1x4x32xi32, #tpu.memory_space<hbm>>
      %dma_start3A_224 = tpu.memref_squeeze %dma_start3A_223 : memref<1x4x32xi32, #tpu.memory_space<hbm>> -> memref<4x32xi32, #tpu.memory_space<hbm>>
      tpu.enqueue_dma source(%dma_start3A_224 : memref<4x32xi32, #tpu.memory_space<hbm>>) target(%arg5 : memref<4x32xi32, #tpu.memory_space<vmem>>) target_semaphore(%run_scoped3A : memref<!tpu.dma_semaphore, #tpu.memory_space<semaphore_mem>>)
      %dma_wait3A_225 = arith.constant 0 : i32
      %dma_wait3A_226 = arith.constant 0 : i32
      %dma_wait3A_227 = tpu.memref_slice %arg3[%add3A, %dma_wait3A_225, %dma_wait3A_226] : memref<32x4x32xi32, #tpu.memory_space<hbm>> -> memref<1x4x32xi32, #tpu.memory_space<hbm>>
      %dma_wait3A_228 = tpu.memref_squeeze %dma_wait3A_227 : memref<1x4x32xi32, #tpu.memory_space<hbm>> -> memref<4x32xi32, #tpu.memory_space<hbm>>
      %dma_wait3A_229 = arith.constant 0 : i32
      %dma_wait3A_230 = arith.constant 0 : i32
      %dma_wait3A_231 = tpu.memref_slice %arg3[%add3A, %dma_wait3A_229, %dma_wait3A_230] : memref<32x4x32xi32, #tpu.memory_space<hbm>> -> memref<1x4x32xi32, #tpu.memory_space<hbm>>
      %dma_wait3A_232 = tpu.memref_squeeze %dma_wait3A_231 : memref<1x4x32xi32, #tpu.memory_space<hbm>> -> memref<4x32xi32, #tpu.memory_space<hbm>>
      tpu.wait_dma2 semaphore(%run_scoped3A : memref<!tpu.dma_semaphore, #tpu.memory_space<semaphore_mem>>) src(%dma_wait3A_232 : memref<4x32xi32, #tpu.memory_space<hbm>>) dst(%arg5 : memref<4x32xi32, #tpu.memory_space<vmem>>)
      tpu.yield
    }) : () -> ()
    %dma_start3A = arith.constant 0 : i32
    %dma_start3A_3 = arith.constant 0 : i32
    %dma_start3A_4 = arith.constant 0 : i32
    %dma_start3A_5 = arith.constant 0 : i32
    %dma_start3A_6 = tpu.memref_slice %arg6[%dma_start3A_3, %dma_start3A_4, %dma_start3A_5] : memref<2x32x1024xf32, #tpu.memory_space<vmem>> -> memref<1x32x1024xf32, #tpu.memory_space<vmem>>
    %dma_start3A_7 = tpu.memref_squeeze %dma_start3A_6 : memref<1x32x1024xf32, #tpu.memory_space<vmem>> -> memref<32x1024xf32, #tpu.memory_space<vmem>>
    %dma_start3A_8 = arith.constant 0 : i32
    %dma_start3A_9 = tpu.memref_slice %arg5[%dma_start3A, %dma_start3A_8] : memref<4x32xi32, #tpu.memory_space<vmem>> -> memref<1x32xi32, #tpu.memory_space<vmem>>
    %dma_start3A_10 = tpu.memref_squeeze %dma_start3A_9 : memref<1x32xi32, #tpu.memory_space<vmem>> -> memref<32xi32, #tpu.memory_space<vmem>>
    %dma_start3A_11 = arith.constant 0 : i32
    %dma_start3A_12 = arith.constant 0 : i32
    %dma_start3A_13 = tpu.memref_slice %arg2[%dma_start3A_11, %dma_start3A_12] : memref<6144x1024xf32, #tpu.memory_space<hbm>> -> memref<6144x1024xf32, #tpu.memory_space<hbm>>
    tpu.enqueue_indirect_dma source(%dma_start3A_13 : memref<6144x1024xf32, #tpu.memory_space<hbm>>) target(%dma_start3A_7 : memref<32x1024xf32, #tpu.memory_space<vmem>>) offsets(%dma_start3A_10 : memref<32xi32, #tpu.memory_space<vmem>>) semaphore(%arg7 : memref<!tpu.dma_semaphore, #tpu.memory_space<semaphore_mem>>)
    %dma_wait3A = arith.constant 0 : i32
    %dma_wait3A_14 = arith.constant 0 : i32
    %dma_wait3A_15 = arith.constant 0 : i32
    %dma_wait3A_16 = arith.constant 0 : i32
    %dma_wait3A_17 = tpu.memref_slice %arg6[%dma_wait3A_14, %dma_wait3A_15, %dma_wait3A_16] : memref<2x32x1024xf32, #tpu.memory_space<vmem>> -> memref<1x32x1024xf32, #tpu.memory_space<vmem>>
    %dma_wait3A_18 = tpu.memref_squeeze %dma_wait3A_17 : memref<1x32x1024xf32, #tpu.memory_space<vmem>> -> memref<32x1024xf32, #tpu.memory_space<vmem>>
    %dma_wait3A_19 = arith.constant 0 : i32
    %dma_wait3A_20 = tpu.memref_slice %arg5[%dma_wait3A, %dma_wait3A_19] : memref<4x32xi32, #tpu.memory_space<vmem>> -> memref<1x32xi32, #tpu.memory_space<vmem>>
    %dma_wait3A_21 = tpu.memref_squeeze %dma_wait3A_20 : memref<1x32xi32, #tpu.memory_space<vmem>> -> memref<32xi32, #tpu.memory_space<vmem>>
    %dma_wait3A_22 = arith.constant 0 : i32
    %dma_wait3A_23 = arith.constant 0 : i32
    %dma_wait3A_24 = tpu.memref_slice %arg2[%dma_wait3A_22, %dma_wait3A_23] : memref<6144x1024xf32, #tpu.memory_space<hbm>> -> memref<6144x1024xf32, #tpu.memory_space<hbm>>
    tpu.wait_indirect_dma semaphore(%arg7 : memref<!tpu.dma_semaphore, #tpu.memory_space<semaphore_mem>>) src(%dma_wait3A_24 : memref<6144x1024xf32, #tpu.memory_space<hbm>>) dst(%dma_wait3A_18 : memref<32x1024xf32, #tpu.memory_space<vmem>>)
    %dma_start3A_25 = arith.constant 1 : i32
    %dma_start3A_26 = arith.constant 1 : i32
    %dma_start3A_27 = arith.constant 0 : i32
    %dma_start3A_28 = arith.constant 0 : i32
    %dma_start3A_29 = tpu.memref_slice %arg6[%dma_start3A_26, %dma_start3A_27, %dma_start3A_28] : memref<2x32x1024xf32, #tpu.memory_space<vmem>> -> memref<1x32x1024xf32, #tpu.memory_space<vmem>>
    %dma_start3A_30 = tpu.memref_squeeze %dma_start3A_29 : memref<1x32x1024xf32, #tpu.memory_space<vmem>> -> memref<32x1024xf32, #tpu.memory_space<vmem>>
    %dma_start3A_31 = arith.constant 0 : i32
    %dma_start3A_32 = tpu.memref_slice %arg5[%dma_start3A_25, %dma_start3A_31] : memref<4x32xi32, #tpu.memory_space<vmem>> -> memref<1x32xi32, #tpu.memory_space<vmem>>
    %dma_start3A_33 = tpu.memref_squeeze %dma_start3A_32 : memref<1x32xi32, #tpu.memory_space<vmem>> -> memref<32xi32, #tpu.memory_space<vmem>>
    %dma_start3A_34 = arith.constant 0 : i32
    %dma_start3A_35 = arith.constant 0 : i32
    %dma_start3A_36 = tpu.memref_slice %arg2[%dma_start3A_34, %dma_start3A_35] : memref<6144x1024xf32, #tpu.memory_space<hbm>> -> memref<6144x1024xf32, #tpu.memory_space<hbm>>
    tpu.enqueue_indirect_dma source(%dma_start3A_36 : memref<6144x1024xf32, #tpu.memory_space<hbm>>) target(%dma_start3A_30 : memref<32x1024xf32, #tpu.memory_space<vmem>>) offsets(%dma_start3A_33 : memref<32xi32, #tpu.memory_space<vmem>>) semaphore(%arg8 : memref<!tpu.dma_semaphore, #tpu.memory_space<semaphore_mem>>)
    %add3A_37 = arith.constant 0 : i32
    %add3A_38 = arith.addi %mul3A_2, %add3A_37 : i32
    %mul3A_39 = arith.constant 32 : i32
    %mul3A_40 = arith.muli %add3A_38, %mul3A_39 : i32
    %dma_start3A_41 = arith.constant 0 : i32
    %dma_start3A_42 = arith.constant 0 : i32
    %dma_start3A_43 = arith.constant 0 : i32
    %dma_start3A_44 = tpu.memref_slice %arg6[%dma_start3A_41, %dma_start3A_42, %dma_start3A_43] : memref<2x32x1024xf32, #tpu.memory_space<vmem>> -> memref<1x32x1024xf32, #tpu.memory_space<vmem>>
    %dma_start3A_45 = tpu.memref_squeeze %dma_start3A_44 : memref<1x32x1024xf32, #tpu.memory_space<vmem>> -> memref<32x1024xf32, #tpu.memory_space<vmem>>
    %dma_start3A_46 = arith.constant 0 : i32
    %dma_start3A_47 = tpu.memref_slice %arg4[%mul3A_40, %dma_start3A_46] : memref<4096x1024xf32, #tpu.memory_space<hbm>> -> memref<32x1024xf32, #tpu.memory_space<hbm>>
    %dma_start3A_48 = arith.constant 0 : i32
    %dma_start3A_49 = tpu.memref_slice %arg4[%mul3A_40, %dma_start3A_48] : memref<4096x1024xf32, #tpu.memory_space<hbm>> -> memref<32x1024xf32, #tpu.memory_space<hbm>>
    %dma_start3A_50 = arith.constant 0 : i32
    %dma_start3A_51 = arith.constant 0 : i32
    %dma_start3A_52 = tpu.memref_slice %arg6[%dma_start3A_41, %dma_start3A_50, %dma_start3A_51] : memref<2x32x1024xf32, #tpu.memory_space<vmem>> -> memref<1x32x1024xf32, #tpu.memory_space<vmem>>
    %dma_start3A_53 = tpu.memref_squeeze %dma_start3A_52 : memref<1x32x1024xf32, #tpu.memory_space<vmem>> -> memref<32x1024xf32, #tpu.memory_space<vmem>>
    tpu.enqueue_dma source(%dma_start3A_53 : memref<32x1024xf32, #tpu.memory_space<vmem>>) target(%dma_start3A_49 : memref<32x1024xf32, #tpu.memory_space<hbm>>) target_semaphore(%arg9 : memref<!tpu.dma_semaphore, #tpu.memory_space<semaphore_mem>>)
    %dma_wait3A_54 = arith.constant 1 : i32
    %dma_wait3A_55 = arith.constant 1 : i32
    %dma_wait3A_56 = arith.constant 0 : i32
    %dma_wait3A_57 = arith.constant 0 : i32
    %dma_wait3A_58 = tpu.memref_slice %arg6[%dma_wait3A_55, %dma_wait3A_56, %dma_wait3A_57] : memref<2x32x1024xf32, #tpu.memory_space<vmem>> -> memref<1x32x1024xf32, #tpu.memory_space<vmem>>
    %dma_wait3A_59 = tpu.memref_squeeze %dma_wait3A_58 : memref<1x32x1024xf32, #tpu.memory_space<vmem>> -> memref<32x1024xf32, #tpu.memory_space<vmem>>
    %dma_wait3A_60 = arith.constant 0 : i32
    %dma_wait3A_61 = tpu.memref_slice %arg5[%dma_wait3A_54, %dma_wait3A_60] : memref<4x32xi32, #tpu.memory_space<vmem>> -> memref<1x32xi32, #tpu.memory_space<vmem>>
    %dma_wait3A_62 = tpu.memref_squeeze %dma_wait3A_61 : memref<1x32xi32, #tpu.memory_space<vmem>> -> memref<32xi32, #tpu.memory_space<vmem>>
    %dma_wait3A_63 = arith.constant 0 : i32
    %dma_wait3A_64 = arith.constant 0 : i32
    %dma_wait3A_65 = tpu.memref_slice %arg2[%dma_wait3A_63, %dma_wait3A_64] : memref<6144x1024xf32, #tpu.memory_space<hbm>> -> memref<6144x1024xf32, #tpu.memory_space<hbm>>
    tpu.wait_indirect_dma semaphore(%arg8 : memref<!tpu.dma_semaphore, #tpu.memory_space<semaphore_mem>>) src(%dma_wait3A_65 : memref<6144x1024xf32, #tpu.memory_space<hbm>>) dst(%dma_wait3A_59 : memref<32x1024xf32, #tpu.memory_space<vmem>>)
    %dma_wait3A_66 = arith.constant 0 : i32
    %dma_wait3A_67 = arith.constant 0 : i32
    %dma_wait3A_68 = arith.constant 0 : i32
    %dma_wait3A_69 = tpu.memref_slice %arg6[%dma_wait3A_66, %dma_wait3A_67, %dma_wait3A_68] : memref<2x32x1024xf32, #tpu.memory_space<vmem>> -> memref<1x32x1024xf32, #tpu.memory_space<vmem>>
    %dma_wait3A_70 = tpu.memref_squeeze %dma_wait3A_69 : memref<1x32x1024xf32, #tpu.memory_space<vmem>> -> memref<32x1024xf32, #tpu.memory_space<vmem>>
    %dma_wait3A_71 = arith.constant 0 : i32
    %dma_wait3A_72 = tpu.memref_slice %arg4[%mul3A_40, %dma_wait3A_71] : memref<4096x1024xf32, #tpu.memory_space<hbm>> -> memref<32x1024xf32, #tpu.memory_space<hbm>>
    %dma_wait3A_73 = arith.constant 0 : i32
    %dma_wait3A_74 = tpu.memref_slice %arg4[%mul3A_40, %dma_wait3A_73] : memref<4096x1024xf32, #tpu.memory_space<hbm>> -> memref<32x1024xf32, #tpu.memory_space<hbm>>
    %dma_wait3A_75 = arith.constant 0 : i32
    %dma_wait3A_76 = arith.constant 0 : i32
    %dma_wait3A_77 = tpu.memref_slice %arg6[%dma_wait3A_66, %dma_wait3A_75, %dma_wait3A_76] : memref<2x32x1024xf32, #tpu.memory_space<vmem>> -> memref<1x32x1024xf32, #tpu.memory_space<vmem>>
    %dma_wait3A_78 = tpu.memref_squeeze %dma_wait3A_77 : memref<1x32x1024xf32, #tpu.memory_space<vmem>> -> memref<32x1024xf32, #tpu.memory_space<vmem>>
    tpu.wait_dma2 semaphore(%arg9 : memref<!tpu.dma_semaphore, #tpu.memory_space<semaphore_mem>>) src(%dma_wait3A_78 : memref<32x1024xf32, #tpu.memory_space<vmem>>) dst(%dma_wait3A_74 : memref<32x1024xf32, #tpu.memory_space<hbm>>)
    %dma_start3A_79 = arith.constant 2 : i32
    %dma_start3A_80 = arith.constant 0 : i32
    %dma_start3A_81 = arith.constant 0 : i32
    %dma_start3A_82 = arith.constant 0 : i32
    %dma_start3A_83 = tpu.memref_slice %arg6[%dma_start3A_80, %dma_start3A_81, %dma_start3A_82] : memref<2x32x1024xf32, #tpu.memory_space<vmem>> -> memref<1x32x1024xf32, #tpu.memory_space<vmem>>
    %dma_start3A_84 = tpu.memref_squeeze %dma_start3A_83 : memref<1x32x1024xf32, #tpu.memory_space<vmem>> -> memref<32x1024xf32, #tpu.memory_space<vmem>>
    %dma_start3A_85 = arith.constant 0 : i32
    %dma_start3A_86 = tpu.memref_slice %arg5[%dma_start3A_79, %dma_start3A_85] : memref<4x32xi32, #tpu.memory_space<vmem>> -> memref<1x32xi32, #tpu.memory_space<vmem>>
    %dma_start3A_87 = tpu.memref_squeeze %dma_start3A_86 : memref<1x32xi32, #tpu.memory_space<vmem>> -> memref<32xi32, #tpu.memory_space<vmem>>
    %dma_start3A_88 = arith.constant 0 : i32
    %dma_start3A_89 = arith.constant 0 : i32
    %dma_start3A_90 = tpu.memref_slice %arg2[%dma_start3A_88, %dma_start3A_89] : memref<6144x1024xf32, #tpu.memory_space<hbm>> -> memref<6144x1024xf32, #tpu.memory_space<hbm>>
    tpu.enqueue_indirect_dma source(%dma_start3A_90 : memref<6144x1024xf32, #tpu.memory_space<hbm>>) target(%dma_start3A_84 : memref<32x1024xf32, #tpu.memory_space<vmem>>) offsets(%dma_start3A_87 : memref<32xi32, #tpu.memory_space<vmem>>) semaphore(%arg7 : memref<!tpu.dma_semaphore, #tpu.memory_space<semaphore_mem>>)
    %add3A_91 = arith.constant 1 : i32
    %add3A_92 = arith.addi %mul3A_2, %add3A_91 : i32
    %mul3A_93 = arith.constant 32 : i32
    %mul3A_94 = arith.muli %add3A_92, %mul3A_93 : i32
    %dma_start3A_95 = arith.constant 1 : i32
    %dma_start3A_96 = arith.constant 0 : i32
    %dma_start3A_97 = arith.constant 0 : i32
    %dma_start3A_98 = tpu.memref_slice %arg6[%dma_start3A_95, %dma_start3A_96, %dma_start3A_97] : memref<2x32x1024xf32, #tpu.memory_space<vmem>> -> memref<1x32x1024xf32, #tpu.memory_space<vmem>>
    %dma_start3A_99 = tpu.memref_squeeze %dma_start3A_98 : memref<1x32x1024xf32, #tpu.memory_space<vmem>> -> memref<32x1024xf32, #tpu.memory_space<vmem>>
    %dma_start3A_100 = arith.constant 0 : i32
    %dma_start3A_101 = tpu.memref_slice %arg4[%mul3A_94, %dma_start3A_100] : memref<4096x1024xf32, #tpu.memory_space<hbm>> -> memref<32x1024xf32, #tpu.memory_space<hbm>>
    %dma_start3A_102 = arith.constant 0 : i32
    %dma_start3A_103 = tpu.memref_slice %arg4[%mul3A_94, %dma_start3A_102] : memref<4096x1024xf32, #tpu.memory_space<hbm>> -> memref<32x1024xf32, #tpu.memory_space<hbm>>
    %dma_start3A_104 = arith.constant 0 : i32
    %dma_start3A_105 = arith.constant 0 : i32
    %dma_start3A_106 = tpu.memref_slice %arg6[%dma_start3A_95, %dma_start3A_104, %dma_start3A_105] : memref<2x32x1024xf32, #tpu.memory_space<vmem>> -> memref<1x32x1024xf32, #tpu.memory_space<vmem>>
    %dma_start3A_107 = tpu.memref_squeeze %dma_start3A_106 : memref<1x32x1024xf32, #tpu.memory_space<vmem>> -> memref<32x1024xf32, #tpu.memory_space<vmem>>
    tpu.enqueue_dma source(%dma_start3A_107 : memref<32x1024xf32, #tpu.memory_space<vmem>>) target(%dma_start3A_103 : memref<32x1024xf32, #tpu.memory_space<hbm>>) target_semaphore(%arg10 : memref<!tpu.dma_semaphore, #tpu.memory_space<semaphore_mem>>)
    %dma_wait3A_108 = arith.constant 2 : i32
    %dma_wait3A_109 = arith.constant 0 : i32
    %dma_wait3A_110 = arith.constant 0 : i32
    %dma_wait3A_111 = arith.constant 0 : i32
    %dma_wait3A_112 = tpu.memref_slice %arg6[%dma_wait3A_109, %dma_wait3A_110, %dma_wait3A_111] : memref<2x32x1024xf32, #tpu.memory_space<vmem>> -> memref<1x32x1024xf32, #tpu.memory_space<vmem>>
    %dma_wait3A_113 = tpu.memref_squeeze %dma_wait3A_112 : memref<1x32x1024xf32, #tpu.memory_space<vmem>> -> memref<32x1024xf32, #tpu.memory_space<vmem>>
    %dma_wait3A_114 = arith.constant 0 : i32
    %dma_wait3A_115 = tpu.memref_slice %arg5[%dma_wait3A_108, %dma_wait3A_114] : memref<4x32xi32, #tpu.memory_space<vmem>> -> memref<1x32xi32, #tpu.memory_space<vmem>>
    %dma_wait3A_116 = tpu.memref_squeeze %dma_wait3A_115 : memref<1x32xi32, #tpu.memory_space<vmem>> -> memref<32xi32, #tpu.memory_space<vmem>>
    %dma_wait3A_117 = arith.constant 0 : i32
    %dma_wait3A_118 = arith.constant 0 : i32
    %dma_wait3A_119 = tpu.memref_slice %arg2[%dma_wait3A_117, %dma_wait3A_118] : memref<6144x1024xf32, #tpu.memory_space<hbm>> -> memref<6144x1024xf32, #tpu.memory_space<hbm>>
    tpu.wait_indirect_dma semaphore(%arg7 : memref<!tpu.dma_semaphore, #tpu.memory_space<semaphore_mem>>) src(%dma_wait3A_119 : memref<6144x1024xf32, #tpu.memory_space<hbm>>) dst(%dma_wait3A_113 : memref<32x1024xf32, #tpu.memory_space<vmem>>)
    %dma_wait3A_120 = arith.constant 1 : i32
    %dma_wait3A_121 = arith.constant 0 : i32
    %dma_wait3A_122 = arith.constant 0 : i32
    %dma_wait3A_123 = tpu.memref_slice %arg6[%dma_wait3A_120, %dma_wait3A_121, %dma_wait3A_122] : memref<2x32x1024xf32, #tpu.memory_space<vmem>> -> memref<1x32x1024xf32, #tpu.memory_space<vmem>>
    %dma_wait3A_124 = tpu.memref_squeeze %dma_wait3A_123 : memref<1x32x1024xf32, #tpu.memory_space<vmem>> -> memref<32x1024xf32, #tpu.memory_space<vmem>>
    %dma_wait3A_125 = arith.constant 0 : i32
    %dma_wait3A_126 = tpu.memref_slice %arg4[%mul3A_94, %dma_wait3A_125] : memref<4096x1024xf32, #tpu.memory_space<hbm>> -> memref<32x1024xf32, #tpu.memory_space<hbm>>
    %dma_wait3A_127 = arith.constant 0 : i32
    %dma_wait3A_128 = tpu.memref_slice %arg4[%mul3A_94, %dma_wait3A_127] : memref<4096x1024xf32, #tpu.memory_space<hbm>> -> memref<32x1024xf32, #tpu.memory_space<hbm>>
    %dma_wait3A_129 = arith.constant 0 : i32
    %dma_wait3A_130 = arith.constant 0 : i32
    %dma_wait3A_131 = tpu.memref_slice %arg6[%dma_wait3A_120, %dma_wait3A_129, %dma_wait3A_130] : memref<2x32x1024xf32, #tpu.memory_space<vmem>> -> memref<1x32x1024xf32, #tpu.memory_space<vmem>>
    %dma_wait3A_132 = tpu.memref_squeeze %dma_wait3A_131 : memref<1x32x1024xf32, #tpu.memory_space<vmem>> -> memref<32x1024xf32, #tpu.memory_space<vmem>>
    tpu.wait_dma2 semaphore(%arg10 : memref<!tpu.dma_semaphore, #tpu.memory_space<semaphore_mem>>) src(%dma_wait3A_132 : memref<32x1024xf32, #tpu.memory_space<vmem>>) dst(%dma_wait3A_128 : memref<32x1024xf32, #tpu.memory_space<hbm>>)
    %dma_start3A_133 = arith.constant 3 : i32
    %dma_start3A_134 = arith.constant 1 : i32
    %dma_start3A_135 = arith.constant 0 : i32
    %dma_start3A_136 = arith.constant 0 : i32
    %dma_start3A_137 = tpu.memref_slice %arg6[%dma_start3A_134, %dma_start3A_135, %dma_start3A_136] : memref<2x32x1024xf32, #tpu.memory_space<vmem>> -> memref<1x32x1024xf32, #tpu.memory_space<vmem>>
    %dma_start3A_138 = tpu.memref_squeeze %dma_start3A_137 : memref<1x32x1024xf32, #tpu.memory_space<vmem>> -> memref<32x1024xf32, #tpu.memory_space<vmem>>
    %dma_start3A_139 = arith.constant 0 : i32
    %dma_start3A_140 = tpu.memref_slice %arg5[%dma_start3A_133, %dma_start3A_139] : memref<4x32xi32, #tpu.memory_space<vmem>> -> memref<1x32xi32, #tpu.memory_space<vmem>>
    %dma_start3A_141 = tpu.memref_squeeze %dma_start3A_140 : memref<1x32xi32, #tpu.memory_space<vmem>> -> memref<32xi32, #tpu.memory_space<vmem>>
    %dma_start3A_142 = arith.constant 0 : i32
    %dma_start3A_143 = arith.constant 0 : i32
    %dma_start3A_144 = tpu.memref_slice %arg2[%dma_start3A_142, %dma_start3A_143] : memref<6144x1024xf32, #tpu.memory_space<hbm>> -> memref<6144x1024xf32, #tpu.memory_space<hbm>>
    tpu.enqueue_indirect_dma source(%dma_start3A_144 : memref<6144x1024xf32, #tpu.memory_space<hbm>>) target(%dma_start3A_138 : memref<32x1024xf32, #tpu.memory_space<vmem>>) offsets(%dma_start3A_141 : memref<32xi32, #tpu.memory_space<vmem>>) semaphore(%arg8 : memref<!tpu.dma_semaphore, #tpu.memory_space<semaphore_mem>>)
    %add3A_145 = arith.constant 2 : i32
    %add3A_146 = arith.addi %mul3A_2, %add3A_145 : i32
    %mul3A_147 = arith.constant 32 : i32
    %mul3A_148 = arith.muli %add3A_146, %mul3A_147 : i32
    %dma_start3A_149 = arith.constant 0 : i32
    %dma_start3A_150 = arith.constant 0 : i32
    %dma_start3A_151 = arith.constant 0 : i32
    %dma_start3A_152 = tpu.memref_slice %arg6[%dma_start3A_149, %dma_start3A_150, %dma_start3A_151] : memref<2x32x1024xf32, #tpu.memory_space<vmem>> -> memref<1x32x1024xf32, #tpu.memory_space<vmem>>
    %dma_start3A_153 = tpu.memref_squeeze %dma_start3A_152 : memref<1x32x1024xf32, #tpu.memory_space<vmem>> -> memref<32x1024xf32, #tpu.memory_space<vmem>>
    %dma_start3A_154 = arith.constant 0 : i32
    %dma_start3A_155 = tpu.memref_slice %arg4[%mul3A_148, %dma_start3A_154] : memref<4096x1024xf32, #tpu.memory_space<hbm>> -> memref<32x1024xf32, #tpu.memory_space<hbm>>
    %dma_start3A_156 = arith.constant 0 : i32
    %dma_start3A_157 = tpu.memref_slice %arg4[%mul3A_148, %dma_start3A_156] : memref<4096x1024xf32, #tpu.memory_space<hbm>> -> memref<32x1024xf32, #tpu.memory_space<hbm>>
    %dma_start3A_158 = arith.constant 0 : i32
    %dma_start3A_159 = arith.constant 0 : i32
    %dma_start3A_160 = tpu.memref_slice %arg6[%dma_start3A_149, %dma_start3A_158, %dma_start3A_159] : memref<2x32x1024xf32, #tpu.memory_space<vmem>> -> memref<1x32x1024xf32, #tpu.memory_space<vmem>>
    %dma_start3A_161 = tpu.memref_squeeze %dma_start3A_160 : memref<1x32x1024xf32, #tpu.memory_space<vmem>> -> memref<32x1024xf32, #tpu.memory_space<vmem>>
    tpu.enqueue_dma source(%dma_start3A_161 : memref<32x1024xf32, #tpu.memory_space<vmem>>) target(%dma_start3A_157 : memref<32x1024xf32, #tpu.memory_space<hbm>>) target_semaphore(%arg9 : memref<!tpu.dma_semaphore, #tpu.memory_space<semaphore_mem>>)
    %dma_wait3A_162 = arith.constant 3 : i32
    %dma_wait3A_163 = arith.constant 1 : i32
    %dma_wait3A_164 = arith.constant 0 : i32
    %dma_wait3A_165 = arith.constant 0 : i32
    %dma_wait3A_166 = tpu.memref_slice %arg6[%dma_wait3A_163, %dma_wait3A_164, %dma_wait3A_165] : memref<2x32x1024xf32, #tpu.memory_space<vmem>> -> memref<1x32x1024xf32, #tpu.memory_space<vmem>>
    %dma_wait3A_167 = tpu.memref_squeeze %dma_wait3A_166 : memref<1x32x1024xf32, #tpu.memory_space<vmem>> -> memref<32x1024xf32, #tpu.memory_space<vmem>>
    %dma_wait3A_168 = arith.constant 0 : i32
    %dma_wait3A_169 = tpu.memref_slice %arg5[%dma_wait3A_162, %dma_wait3A_168] : memref<4x32xi32, #tpu.memory_space<vmem>> -> memref<1x32xi32, #tpu.memory_space<vmem>>
    %dma_wait3A_170 = tpu.memref_squeeze %dma_wait3A_169 : memref<1x32xi32, #tpu.memory_space<vmem>> -> memref<32xi32, #tpu.memory_space<vmem>>
    %dma_wait3A_171 = arith.constant 0 : i32
    %dma_wait3A_172 = arith.constant 0 : i32
    %dma_wait3A_173 = tpu.memref_slice %arg2[%dma_wait3A_171, %dma_wait3A_172] : memref<6144x1024xf32, #tpu.memory_space<hbm>> -> memref<6144x1024xf32, #tpu.memory_space<hbm>>
    tpu.wait_indirect_dma semaphore(%arg8 : memref<!tpu.dma_semaphore, #tpu.memory_space<semaphore_mem>>) src(%dma_wait3A_173 : memref<6144x1024xf32, #tpu.memory_space<hbm>>) dst(%dma_wait3A_167 : memref<32x1024xf32, #tpu.memory_space<vmem>>)
    %add3A_174 = arith.constant 3 : i32
    %add3A_175 = arith.addi %mul3A_2, %add3A_174 : i32
    %mul3A_176 = arith.constant 32 : i32
    %mul3A_177 = arith.muli %add3A_175, %mul3A_176 : i32
    %dma_start3A_178 = arith.constant 1 : i32
    %dma_start3A_179 = arith.constant 0 : i32
    %dma_start3A_180 = arith.constant 0 : i32
    %dma_start3A_181 = tpu.memref_slice %arg6[%dma_start3A_178, %dma_start3A_179, %dma_start3A_180] : memref<2x32x1024xf32, #tpu.memory_space<vmem>> -> memref<1x32x1024xf32, #tpu.memory_space<vmem>>
    %dma_start3A_182 = tpu.memref_squeeze %dma_start3A_181 : memref<1x32x1024xf32, #tpu.memory_space<vmem>> -> memref<32x1024xf32, #tpu.memory_space<vmem>>
    %dma_start3A_183 = arith.constant 0 : i32
    %dma_start3A_184 = tpu.memref_slice %arg4[%mul3A_177, %dma_start3A_183] : memref<4096x1024xf32, #tpu.memory_space<hbm>> -> memref<32x1024xf32, #tpu.memory_space<hbm>>
    %dma_start3A_185 = arith.constant 0 : i32
    %dma_start3A_186 = tpu.memref_slice %arg4[%mul3A_177, %dma_start3A_185] : memref<4096x1024xf32, #tpu.memory_space<hbm>> -> memref<32x1024xf32, #tpu.memory_space<hbm>>
    %dma_start3A_187 = arith.constant 0 : i32
    %dma_start3A_188 = arith.constant 0 : i32
    %dma_start3A_189 = tpu.memref_slice %arg6[%dma_start3A_178, %dma_start3A_187, %dma_start3A_188] : memref<2x32x1024xf32, #tpu.memory_space<vmem>> -> memref<1x32x1024xf32, #tpu.memory_space<vmem>>
    %dma_start3A_190 = tpu.memref_squeeze %dma_start3A_189 : memref<1x32x1024xf32, #tpu.memory_space<vmem>> -> memref<32x1024xf32, #tpu.memory_space<vmem>>
    tpu.enqueue_dma source(%dma_start3A_190 : memref<32x1024xf32, #tpu.memory_space<vmem>>) target(%dma_start3A_186 : memref<32x1024xf32, #tpu.memory_space<hbm>>) target_semaphore(%arg10 : memref<!tpu.dma_semaphore, #tpu.memory_space<semaphore_mem>>)
    %dma_wait3A_191 = arith.constant 0 : i32
    %dma_wait3A_192 = arith.constant 0 : i32
    %dma_wait3A_193 = arith.constant 0 : i32
    %dma_wait3A_194 = tpu.memref_slice %arg6[%dma_wait3A_191, %dma_wait3A_192, %dma_wait3A_193] : memref<2x32x1024xf32, #tpu.memory_space<vmem>> -> memref<1x32x1024xf32, #tpu.memory_space<vmem>>
    %dma_wait3A_195 = tpu.memref_squeeze %dma_wait3A_194 : memref<1x32x1024xf32, #tpu.memory_space<vmem>> -> memref<32x1024xf32, #tpu.memory_space<vmem>>
    %dma_wait3A_196 = arith.constant 0 : i32
    %dma_wait3A_197 = tpu.memref_slice %arg4[%mul3A_148, %dma_wait3A_196] : memref<4096x1024xf32, #tpu.memory_space<hbm>> -> memref<32x1024xf32, #tpu.memory_space<hbm>>
    %dma_wait3A_198 = arith.constant 0 : i32
    %dma_wait3A_199 = tpu.memref_slice %arg4[%mul3A_148, %dma_wait3A_198] : memref<4096x1024xf32, #tpu.memory_space<hbm>> -> memref<32x1024xf32, #tpu.memory_space<hbm>>
    %dma_wait3A_200 = arith.constant 0 : i32
    %dma_wait3A_201 = arith.constant 0 : i32
    %dma_wait3A_202 = tpu.memref_slice %arg6[%dma_wait3A_191, %dma_wait3A_200, %dma_wait3A_201] : memref<2x32x1024xf32, #tpu.memory_space<vmem>> -> memref<1x32x1024xf32, #tpu.memory_space<vmem>>
    %dma_wait3A_203 = tpu.memref_squeeze %dma_wait3A_202 : memref<1x32x1024xf32, #tpu.memory_space<vmem>> -> memref<32x1024xf32, #tpu.memory_space<vmem>>
    tpu.wait_dma2 semaphore(%arg9 : memref<!tpu.dma_semaphore, #tpu.memory_space<semaphore_mem>>) src(%dma_wait3A_203 : memref<32x1024xf32, #tpu.memory_space<vmem>>) dst(%dma_wait3A_199 : memref<32x1024xf32, #tpu.memory_space<hbm>>)
    %dma_wait3A_204 = arith.constant 1 : i32
    %dma_wait3A_205 = arith.constant 0 : i32
    %dma_wait3A_206 = arith.constant 0 : i32
    %dma_wait3A_207 = tpu.memref_slice %arg6[%dma_wait3A_204, %dma_wait3A_205, %dma_wait3A_206] : memref<2x32x1024xf32, #tpu.memory_space<vmem>> -> memref<1x32x1024xf32, #tpu.memory_space<vmem>>
    %dma_wait3A_208 = tpu.memref_squeeze %dma_wait3A_207 : memref<1x32x1024xf32, #tpu.memory_space<vmem>> -> memref<32x1024xf32, #tpu.memory_space<vmem>>
    %dma_wait3A_209 = arith.constant 0 : i32
    %dma_wait3A_210 = tpu.memref_slice %arg4[%mul3A_177, %dma_wait3A_209] : memref<4096x1024xf32, #tpu.memory_space<hbm>> -> memref<32x1024xf32, #tpu.memory_space<hbm>>
    %dma_wait3A_211 = arith.constant 0 : i32
    %dma_wait3A_212 = tpu.memref_slice %arg4[%mul3A_177, %dma_wait3A_211] : memref<4096x1024xf32, #tpu.memory_space<hbm>> -> memref<32x1024xf32, #tpu.memory_space<hbm>>
    %dma_wait3A_213 = arith.constant 0 : i32
    %dma_wait3A_214 = arith.constant 0 : i32
    %dma_wait3A_215 = tpu.memref_slice %arg6[%dma_wait3A_204, %dma_wait3A_213, %dma_wait3A_214] : memref<2x32x1024xf32, #tpu.memory_space<vmem>> -> memref<1x32x1024xf32, #tpu.memory_space<vmem>>
    %dma_wait3A_216 = tpu.memref_squeeze %dma_wait3A_215 : memref<1x32x1024xf32, #tpu.memory_space<vmem>> -> memref<32x1024xf32, #tpu.memory_space<vmem>>
    tpu.wait_dma2 semaphore(%arg10 : memref<!tpu.dma_semaphore, #tpu.memory_space<semaphore_mem>>) src(%dma_wait3A_216 : memref<32x1024xf32, #tpu.memory_space<vmem>>) dst(%dma_wait3A_212 : memref<32x1024xf32, #tpu.memory_space<hbm>>)
    return
  }
}

module attributes {stable_mosaic.version = 14 : i64} {
  func.func @_gmm_body(%arg0: i32, %arg1: memref<24xi32, #tpu.memory_space<smem>>, %arg2: memref<256x1024xf32, #tpu.memory_space<vmem>>, %arg3: memref<1x1024x1024xf32, #tpu.memory_space<vmem>>, %arg4: memref<1x1x1024xf32, #tpu.memory_space<vmem>>, %arg5: memref<256x1024xf32, #tpu.memory_space<vmem>>) attributes {dimension_semantics = [#tpu.dimension_semantics<arbitrary>], iteration_bounds = array<i64: 24>, scalar_prefetch = 1 : i64, scratch_operands = 0 : i64, tpu.core_type = #tpu.core_type<tc>, window_params = [{transform_indices = @transform_0, window_bounds = array<i64: 256, 1024>}, {transform_indices = @transform_1, window_bounds = array<i64: 1, 1024, 1024>}, {transform_indices = @transform_2, window_bounds = array<i64: 1, 1, 1024>}, {transform_indices = @transform_3, window_bounds = array<i64: 256, 1024>}]} {
    %get3A = arith.constant 0 : index
    %get3A_0 = arith.constant 0 : index
    %get3A_1 = vector.load %arg2[%get3A, %get3A_0] : memref<256x1024xf32, #tpu.memory_space<vmem>>, vector<256x1024xf32>
    %get3A_2 = arith.constant 0 : index
    %get3A_3 = arith.constant 0 : index
    %get3A_4 = arith.constant 0 : index
    %get3A_5 = vector.load %arg3[%get3A_2, %get3A_3, %get3A_4] : memref<1x1024x1024xf32, #tpu.memory_space<vmem>>, vector<1x1024x1024xf32>
    %get3A_6 = vector.shape_cast %get3A_5 : vector<1x1024x1024xf32> to vector<1024x1024xf32>
    %dot_general3A = arith.constant dense<0.000000e+00> : vector<256x1024xf32>
    %dot_general3A_7 = tpu.matmul %get3A_1, %get3A_6, %dot_general3A {dimension_numbers = #tpu.dot_dimension_numbers<[1], [1], [0], [0], [0, 0, 1, 0], [], []>, transpose_lhs_hint = false} : vector<256x1024xf32>, vector<1024x1024xf32>, vector<256x1024xf32> -> vector<256x1024xf32>
    %get3A_8 = arith.constant 0 : index
    %get3A_9 = arith.constant 0 : index
    %get3A_10 = arith.constant 0 : index
    %get3A_11 = vector.load %arg4[%get3A_8, %get3A_9, %get3A_10] : memref<1x1x1024xf32, #tpu.memory_space<vmem>>, vector<1x1x1024xf32>
    %get3A_12 = vector.shape_cast %get3A_11 : vector<1x1x1024xf32> to vector<1024xf32>
    %broadcast_in_dim3A = vector.shape_cast %get3A_12 : vector<1024xf32> to vector<1x1024xf32>
    %add3A = vector.broadcast %broadcast_in_dim3A : vector<1x1024xf32> to vector<256x1024xf32>
    %add3A_13 = arith.addf %dot_general3A_7, %add3A : vector<256x1024xf32>
    %swap3A = arith.constant 0 : index
    %swap3A_14 = arith.constant 0 : index
    %swap3A_15 = vector.load %arg5[%swap3A, %swap3A_14] : memref<256x1024xf32, #tpu.memory_space<vmem>>, vector<256x1024xf32>
    tpu.vector_store %arg5[%swap3A, %swap3A_14], %add3A_13 {strides = array<i32>} : memref<256x1024xf32, #tpu.memory_space<vmem>>, vector<256x1024xf32>,
    return
  }
  func.func @transform_0(%arg0: i32, %arg1: memref<24xi32, #tpu.memory_space<smem>>) -> (i32, i32) {
    %c0_i32 = arith.constant 0 : i32
    %c0_i32_0 = arith.constant 0 : i32
    return %arg0, %c0_i32 : i32, i32
  }
  func.func @transform_1(%arg0: i32, %arg1: memref<24xi32, #tpu.memory_space<smem>>) -> (i32, i32, i32) {
    %get3A = arith.index_cast %arg0 : i32 to index
    %get3A_0 = memref.load %arg1[%get3A] : memref<24xi32, #tpu.memory_space<smem>>
    %c0_i32 = arith.constant 0 : i32
    %c0_i32_1 = arith.constant 0 : i32
    %c0_i32_2 = arith.constant 0 : i32
    return %get3A_0, %c0_i32, %c0_i32_1 : i32, i32, i32
  }
  func.func @transform_2(%arg0: i32, %arg1: memref<24xi32, #tpu.memory_space<smem>>) -> (i32, i32, i32) {
    %get3A = arith.index_cast %arg0 : i32 to index
    %get3A_0 = memref.load %arg1[%get3A] : memref<24xi32, #tpu.memory_space<smem>>
    %c0_i32 = arith.constant 0 : i32
    %c0_i32_1 = arith.constant 0 : i32
    %c0_i32_2 = arith.constant 0 : i32
    return %get3A_0, %c0_i32, %c0_i32_1 : i32, i32, i32
  }
  func.func @transform_3(%arg0: i32, %arg1: memref<24xi32, #tpu.memory_space<smem>>) -> (i32, i32) {
    %c0_i32 = arith.constant 0 : i32
    %c0_i32_0 = arith.constant 0 : i32
    return %arg0, %c0_i32 : i32, i32
  }
}

</mosaic_0001>

<sc_bundles>
// kernel: kernel.5.cloned.1.call-start
scs
__scs_entry_jumppad:
0x0: {  	(pc) =	sbr.rel $0x88, $3  }
0x1: {  	(tag) =	ssettag $0x0;
	lr =	simm.s32 $0x1  }
0x2: {  	[smem:$0x3F9C] =	sst lr;
	_ =	strace $0xD0000000  }
0x3: {  	_ = 	snop  }
0x4: {  	_ = 	snop  }
0x5: {  	_ = 	snop  }
0x6: {  	_ = 	snop  }
0x7: {  	_ = 	snop  }
__scs_overlays_trampoline_lowered:
0x8: {  	[smem:$0x3FAB] =	sst s0  }
0x9: {  	[smem:$0x3FAC] =	sst s1  }
0xa: {  	[smem:$0x3FAD] =	sst s2  }
0xb: {  	[smem:$0x3FAE] =	sst s3  }
0xc: {  	[smem:$0x3FAF] =	sst s4  }
0xd: {  	[smem:$0x3FB0] =	sst s5  }
0xe: {  	[smem:$0x3FB1] =	sst s6  }
0xf: {  	[smem:$0x3FB2] =	sst s7  }
0x10: {  	[smem:$0x3FB3] =	sst s8  }
0x11: {  	[smem:$0x3FB4] =	sst s9;
	s0 =	simm.s32 @!p0 $0x0  }
0x12: {  	s1 =	sld [smem:$0x3F9A];
	s0 =	simm.s32 @p0 $0x1  }
0x13: {  	[smem:$0x3FB5] =	sst s0;
	s0 =	simm.s32 @!p1 $0x0  }
0x14: {  	s2 =	sld [smem:$0x3F99];
	s0 =	simm.s32 @p1 $0x1  }
0x15: {  	[smem:$0x3FB6] =	sst s0;
	s0 =	simm.s32 @!p2 $0x0  }
0x16: {  	s3 =	sld [smem:$0x3FDB];
	s0 =	simm.s32 @p2 $0x1  }
0x17: {  	s4 =	simm.s32 $0x1BF5;
	[smem:$0x3FB8] =	sst s0  }
0x18: {  	s0 =	sld [smem:$0x3F9B];
	_ =	swait.ge [sflag:s4], $0x0  }
0x19: {  	s7 =	sld [smem:$0x3F9C]  }
0x1a: {  	s8 =	sadd.s32 $0xFFFFE003, lr  }
0x1b: {  	s9 =	sadd.s32 $0xFFFFFEF7, lr;
	s5 =	simm.s32 $0xFFFFFFFF;
	p2 =	slt.u32 s8, $0xFFFFF086  }
0x1c: {  	p1 =	slt.u32 s9, $0xF7A;
	s5 =	simm.s32 @!p2 $0x0  }
0x1d: {  	s5 =	simm.s32 @p1 $0x1;
	p0 =	seq.s32 s7, s2  }
0x1e: {  	s7 =	smul.u32 @!p0 $0xF7A, s2;
	p2 =	seq.s32 @!p0 s5, $0x0  }
0x1f: {  	s9 =	smul.u32 $0xF7A, s1;
	s8 =	simm.s32 @!p0 $0x1BF5;
	p2 =	por !p2, p0  }
0x20: {  	[sflag:s8] =	ssyncset.s32 @!p0 $0xFFFFF086;
	s6 =	sadd.s32 @!p0 s3, s7;
	s7 =	simm.s32 @!p0 $0x108  }
0x21: {  	s3 =	sadd.s32 s3, s9;
	s6 =	sadd.s32 @!p0 $0x88, s6;
	s7 =	simm.s32 @p2 $0x1082  }
0x22: {  	[simem:s7], [sflag:s8] =	dma.local @!p0 [hbm:s6], $0xF7A  }
0x23: {  	s9 =	sor.u32 $0xD0000000, s2;
	s6 =	simm.s32 $0x108;
	_ =	swait.ge @!p0 [sflag:s8], $0x0  }
0x24: {  	s3 =	sadd.s32 $0x88, s3;
	s6 =	simm.s32 @!p1 $0x1082;
	[sflag:s4] =	ssyncset.s32 $0xFFFFF086  }
0x25: {  	[simem:s6], [sflag:s4] =	dma.local [hbm:s3], $0xF7A  }
0x26: {  	[smem:$0x3F9C] =	sst s1;
	(tag) =	ssettag s2;
	_ =	strace s9  }
0x27: {  	s1 =	sld [smem:$0x3FAC]  }
0x28: {  	s2 =	sld [smem:$0x3FAD]  }
0x29: {  	s4 =	sld [smem:$0x3FAF]  }
0x2a: {  	p0 =	seq.s32 s5, $0x0;
	s5 =	sld [smem:$0x3FB0]  }
0x2b: {  	s6 =	sld [smem:$0x3FB1]  }
0x2c: {  	s7 =	sld [smem:$0x3FB2]  }
0x2d: {  	s3 =	simm.s32 $0x108;
	s8 =	sld [smem:$0x3FB3]  }
0x2e: {  	s3 =	simm.s32 @!p0 $0x1082;
	s9 =	sld [smem:$0x3FB4]  }
0x2f: {  	lr =	sadd.s32 s0, s3;
	s0 =	sld [smem:$0x3FAB]  }
0x30: {  	s3 =	sld [smem:$0x3FAE]  }
0x31: {  	[smem:$0x3FB7] =	sst s10  }
0x32: {  	s10 =	sld [smem:$0x3FB5];
	_ =	sdelay $0x3  }
0x33: {  	p0 =	seq.s32 s10, $0x1;
	s10 =	sld [smem:$0x3FB7];
	_ =	sdelay $0x3  }
0x34: {  	[smem:$0x3FB7] =	sst s10  }
0x35: {  	s10 =	sld [smem:$0x3FB6];
	_ =	sdelay $0x3  }
0x36: {  	p1 =	seq.s32 s10, $0x1;
	s10 =	sld [smem:$0x3FB7];
	_ =	sdelay $0x3  }
0x37: {  	[smem:$0x3FB7] =	sst s10  }
0x38: {  	s10 =	sld [smem:$0x3FB8]  }
0x39: {  	_ = 	snop;
	(pc) =	sbr.ind lr, $3  }
0x3a: {  	_ = 	snop  }
0x3b: {  	_ = 	snop  }
0x3c: {  	p2 =	seq.s32 s10, $0x1;
	s10 =	sld [smem:$0x3FB7]  }
0x3d: {  	_ =	shalt  }
0x3e: {  	_ =	shalt  }
0x3f: {  	_ =	shalt  }
0x40: {  	_ =	shalt  }
0x41: {  	_ =	shalt  }
0x42: {  	_ =	shalt  }
0x43: {  	_ =	shalt  }
0x44: {  	_ =	shalt  }
0x45: {  	_ =	shalt  }
0x46: {  	_ =	shalt  }
0x47: {  	_ =	shalt  }
0x48: {  	_ =	shalt  }
0x49: {  	_ =	shalt  }
0x4a: {  	_ =	shalt  }
0x4b: {  	_ =	shalt  }
0x4c: {  	_ =	shalt  }
0x4d: {  	_ =	shalt  }
0x4e: {  	_ =	shalt  }
0x4f: {  	_ =	shalt  }
0x50: {  	_ =	shalt  }
0x51: {  	_ =	shalt  }
0x52: {  	_ =	shalt  }
0x53: {  	_ =	shalt  }
0x54: {  	_ =	shalt  }
0x55: {  	_ =	shalt  }
0x56: {  	_ =	shalt  }
0x57: {  	_ =	shalt  }
0x58: {  	_ =	shalt  }
0x59: {  	_ =	shalt  }
0x5a: {  	_ =	shalt  }
0x5b: {  	_ =	shalt  }
0x5c: {  	_ =	shalt  }
0x5d: {  	_ =	shalt  }
0x5e: {  	_ =	shalt  }
0x5f: {  	_ =	shalt  }
0x60: {  	_ =	shalt  }
0x61: {  	_ =	shalt  }
0x62: {  	_ =	shalt  }
0x63: {  	_ =	shalt  }
0x64: {  	_ =	shalt  }
0x65: {  	_ =	shalt  }
0x66: {  	_ =	shalt  }
0x67: {  	_ =	shalt  }
0x68: {  	_ =	shalt  }
0x69: {  	_ =	shalt  }
0x6a: {  	_ =	shalt  }
0x6b: {  	_ =	shalt  }
0x6c: {  	_ =	shalt  }
0x6d: {  	_ =	shalt  }
0x6e: {  	_ =	shalt  }
0x6f: {  	_ =	shalt  }
0x70: {  	_ =	shalt  }
0x71: {  	_ =	shalt  }
0x72: {  	_ =	shalt  }
0x73: {  	_ =	shalt  }
0x74: {  	_ =	shalt  }
0x75: {  	_ =	shalt  }
0x76: {  	_ =	shalt  }
0x77: {  	_ =	shalt  }
0x78: {  	_ =	shalt  }
0x79: {  	_ =	shalt  }
0x7a: {  	_ =	shalt  }
0x7b: {  	_ =	shalt  }
0x7c: {  	_ =	shalt  }
0x7d: {  	_ =	shalt  }
0x7e: {  	_ =	shalt  }
0x7f: {  	_ =	shalt  }
0x80: {  	_ =	shalt  }
0x81: {  	_ =	shalt  }
0x82: {  	_ =	shalt  }
0x83: {  	_ =	shalt  }
0x84: {  	_ =	shalt  }
0x85: {  	_ =	shalt  }
0x86: {  	_ =	shalt  }
0x87: {  	_ =	shalt  }
.Lfunc_end0:
.L_simem_size_0:
called_computation_lowered:
.L_overlay_start_0:
0x88: {  	s2 =	sld [smem:$0x3FD9]  }
0x89: {  	s3 =	sld [smem:$0x3FFE];
	_ =	sdelay $0x1  }
0x8a: {  	s1 =	srdreg.scid  }
0x8b: {  	s0 =	sand.u32 $0x1, s1  }
0x8c: {  	s14 =	sshll.u32 s0, $0xA;
	s2 =	sadd.s32 s3, s2  }
0x8d: {  	s2 =	sadd.s32 s2, s14  }
0x8e: {  	[smem:$0x3FC3] =	sst s2  }
0x8f: {  	_ = 	snop  }
0x90: {  	s2 =	sld [smem:$0x3FD0];
	_ =	sdelay $0x2  }
0x91: {  	s4 =	simm.s32 $0xA;
	s5 =	simm.s32 $0x10;
	s15 =	sld [smem:$0x3FC9]  }
0x92: {  	[smem:s5], [sflag:s4] =	dma.local [hbm:s2], $0x1  }
0x93: {  	_ =	swait.eq [sflag:s4], $0x1  }
0x94: {  	[sflag:s4] =	ssyncset.done $0x0  }
0x95: {  	[sflag:s4] =	ssyncadd.s32 $0xFFFFFFFF  }
0x96: {  	s16 =	sld [smem:$0x10];
	(tm) =	ssettm $0x1  }
0x97: {  	s17 =	sld [smem:$0x3FFB];
	_ =	sdelay $0x3  }
0x98: {  	_ =	strace s17  }
0x99: {  	s4 =	sld [smem:$0x3FFC];
	_ =	sdelay $0x3  }
0x9a: {  	_ =	strace s4  }
0x9b: {  	s4 =	sld [smem:$0x3FFD];
	_ =	sdelay $0x3  }
0x9c: {  	_ =	strace s4  }
0x9d: {  	_ =	strace $0x8FFFFFFF  }
0x9e: {  	s18 =	sld [smem:$0x3FDB];
	_ =	sdelay $0x1  }
0x9f: {  	s19 =	simm.s32 $_scs_section_size  }
0xa0: {  	s6 =	simm.s32 $_size__tile_overlayer_lowered;
	s7 =	simm.s32 $_tile_overlayer_lowered  }
0xa1: {  	s22 =	simm.s32 $0x1BFF;
	s21 =	sshll.u32 s7, $0x1;
	s4 =	sadd.s32 s19, s18  }
0xa2: {  	s8 =	simm.s32 $0x0;
	s20 =	sshll.u32 s6, $0x1;
	s6 =	sadd.s32 s21, s4  }
0xa3: {  	[timem:s8], [sflag:s22] =	dma.local [hbm:s6], s20  }
0xa4: {  	_ =	swait.ge [sflag:s22], s20  }
0xa5: {  	s5 =	ssub.s32 $0x0, s20;
	[sflag:s22] =	ssyncset.done $0x0  }
0xa6: {  	[sflag:s22] =	ssyncadd.s32 s5;
	_ =	sdelay $0x1  }
0xa7: {  	s23 =	simm.s32 $0x1B8B  }
0xa8: {  	_ =	swait.ge [sflag:s23], $0x1  }
0xa9: {  	[sflag:s23] =	ssyncset.done $0x0  }
0xaa: {  	s25 =	simm.s32 $0x1B8E;
	s24 =	sld [smem:$0x3FFE];
	[sflag:s23] =	ssyncadd.s32 $0xFFFFFFFF  }
0xab: {  	s26 =	simm.s32 $execute0_lowered;
	[smem:$0x3FD2] =	sst s25  }
0xac: {  	s6 =	sshll.u32 s26, $0x1;
	_ =	strace $0x80000046;
	[dreg:$0x1] =	wrdreg $0xFFFFFFFF  }
0xad: {  	s28 =	simm.s32 $_size_execute0_lowered;
	s4 =	sadd.s32 s4, s6;
	[dreg:$0x0] =	wrdreg $0x0  }
0xae: {  	s6 =	sshll.u32 s28, $0x1;
	[dreg:$0x2] =	wrdreg s4  }
0xaf: {  	[dreg:$0x3] =	wrdreg s6  }
0xb0: {  	[dreg:$0x4] =	wrdreg $0xC0  }
0xb1: {  	_ =	task [dreg:s8], $0x5FFFF  }
0xb2: {  	[dreg:$0x1] =	wrdreg $0xFFFFFFFF  }
0xb3: {  	[dreg:$0x0] =	wrdreg $0x60  }
0xb4: {  	[dreg:$0x2] =	wrdreg s15  }
0xb5: {  	[dreg:$0x3] =	wrdreg s16  }
0xb6: {  	[dreg:$0x4] =	wrdreg s24  }
0xb7: {  	[dreg:$0x5] =	wrdreg $0x9  }
0xb8: {  	_ =	task.clear_ibuf [dreg:s8], $0x6FFFF;
	_ =	strace $0x90000046  }
0xb9: {  	s29 =	simm.s32 $0x9;
	_ =	strace $0x80000048  }
0xba: {  	_ =	swait.ge [sflag:s29], $0x1  }
0xbb: {  	[sflag:s29] =	ssyncadd.s32 $0xFFFFFFFF  }
0xbc: {  	_ =	strace $0x90000048  }
0xbd: {  	_ =	sfence  }
0xbe: {  	s30 =	sld [smem:$0x0];
	_ =	sdelay $0x2  }
0xbf: {  	s31 =	sshll.u32 s1, $0xD;
	s1 =	sshrl.u32 s1, $0x2  }
0xc0: {  	s3 =	sand.u32 $0x4000, s31;
	s1 =	sadd.s32 s1, s30  }
0xc1: {  	s0 =	sor.u32 s3, s0;
	s1 =	sshll.u32 s1, $0x11  }
0xc2: {  	s0 =	sor.u32 s1, s0  }
0xc3: {  	s0 =	sadd.s32 $0x8F2B, s0  }
0xc4: {  	[sflag:s0] =	ssyncadd.remote.s32 $0x1  }
0xc5: {  	_ =	sfence.sel $0xFFFF  }
0xc6: {  	[dreg:$0x0] =	wrdreg $0xFFFFFFFF;
	(pc) =	sbr.abs _section_cstart, $3  }
0xc7: {  	[dreg:$0x1] =	wrdreg $0xFFFFFFFF  }
0xc8: {  	_ =	task.clear_ibuf [dreg:s8], $0x2FFFF;
	_ =	strace $0x9FFFFFFF  }
0xc9: {  	(tm) =	ssettm $0x7FFFFFFF  }
tec
execute0_lowered:
.L_overlay_start_1:
0x0: {  	(tag) =	ssettag $0x1  }
0x1: {  	s1 =	rddreg [dreg:$0x0]  }
0x2: {  	s0 =	srdreg.scid;
	s2 =	rddreg [dreg:$0x1]  }
0x3: {  	s3 =	stileid.u32;
	s4 =	rddreg [dreg:$0x2]  }
0x4: {  	s19 =	simm.s32 $0x2;
	s20 =	simm.s32 $0x3;
	s28 =	simm.s32 $0x400  }
0x5: {  	s29 =	simm.s32 $0x2400;
	s30 =	simm.s32 $0x2C00;
	s31 =	simm.s32 $0x3400  }
0x6: {  	s10 =	simm.s32 $0x4400;
	s9 =	simm.s32 $0x5400;
	s11 =	simm.s32 $0x5C00  }
0x7: {  	s12 =	simm.s32 $0x6400;
	s13 =	simm.s32 $0x6C00;
	s14 =	simm.s32 $0x7400  }
0x8: {  	s15 =	simm.s32 $0x7C00;
	s0 =	sand.u32 $0x1, s0;
	s3 =	sshll.u32 s3, $0x1  }
0x9: {  	s17 =	simm.s32 $0x9400;
	s18 =	simm.s32 $0x9C00;
	s5 =	sor.u32 s0, s3  }
0xa: {  	s3 =	simm.s32 $0x0;
	s0 =	ssub.s32 $0x2, s0;
	s6 =	smul.u32 $0x6000, s5  }
0xb: {  	[smem:$0x7FF] =	sst s3;
	s7 =	smul.u32 $0x30000, s5;
	s5 =	sshll.u32 s5, $0x7  }
0xc: {  	s8 =	sshrl.u32 s0, $0x1;
	_ =	strace $0x80000047;
	s2 =	sadd.s32 s2, s5  }
0xd: {  	s0 =	ssub.s32 s0, s8;
	s5 =	sadd.s32 $0x100, s1;
	s6 =	sadd.s32 s4, s6  }
0xe: {  	s21 =	sshrl.u32 s7, $0x3;
	[dreg:$0x4] =	wrdreg s2;
	s7 =	sadd.s32 $0x300, s1  }
0xf: {  	[dreg:$0xa] =	wrdreg s6;
	s22 =	sadd.s32 $0x1000, s6;
	s4 =	sadd.s32 s4, s21  }
0x10: {  	s8 =	smax.u32 s0, $0x1;
	[dreg:$0x5] =	wrdreg s22;
	s23 =	sadd.s32 $0x2000, s4  }
0x11: {  	s0 =	simm.s32 $0x8400;
	s24 =	sadd.s32 $0x3000, s4;
	[dreg:$0x6] =	wrdreg s23  }
0x12: {  	s6 =	sadd.s32 $0x200, s1;
	s25 =	sadd.s32 $0x4000, s4;
	[dreg:$0x7] =	wrdreg s24  }
0x13: {  	v2 =	vlaneseq.u32;
	s21 =	simm.s32 $0x4;
	s26 =	sadd.s32 $0x5000, s4;
	[dreg:$0x8] =	wrdreg s25  }
0x14: {  	vm0 =	vmmov $0xffff;
	v1 =	vshrl.u32 v2, $0x3;
	s4 =	simm.s32 $0x4C00;
	[dreg:$0x9] =	wrdreg s26;
	s26 =	simm.s32 $0x1  }
0x15: {  	v0 =	vand.u32 $0x7, v2;
	v2 =	vor.u32 $0x8, v2;
	v1 =	vmul.u32 $0x8, v1;
	s23 =	simm.s32 $0xC00;
	s24 =	simm.s32 $0x1400;
	s25 =	simm.s32 $0x1C00  }
.LBB2_1:
0x16: {  	s22 =	rddreg [dreg:$0x4];
	s16 =	simm.s32 $0x5  }
0x17: {  	[tilespmem:s3], [sflag:$0x5] =	stream.linear.gather [hbm4b:s22+s3], $0x300, $0x38;
	[tilespmem:$0x10400] =	vst v63  }
0x18: {  	_ =	swait.ge [sflag:s16], $0x300  }
0x19: {  	[sflag:s16] =	ssyncset.done $0x0  }
0x1a: {  	[sflag:s16] =	ssyncadd.s32 $0xFFFFFD00  }
0x1b: {  	v3 =	vld [tilespmem:$0x0];
	_ =	sdelay $0x4  }
0x1c: {  	v4 =	vshll.u32 v3, $0x3  }
0x1d: {  	v3 =	vand.u32 $0x7, v3;
	v4 =	vand.u32 $0xFFFFFFC0, v4  }
0x1e: {  	v3 =	vor.u32 v3, v4  }
0x1f: {  	v4 =	vperm.xlane v3, v0;
	_ =	sdelay $0x1  }
0x20: {  	v4 =	vadd.s32 v1, v4;
	_ =	sdelay $0x4  }
0x21: {  	[tilespmem:s28], [sflag:$0x1] =	stream.indirect_vreg.gather [hbm4b:s1+s3], $0x80, v4, vm0, $0xb8;
	[tilespmem:$0x10400] =	vst v63  }
0x22: {  	v3 =	vperm.xlane v3, v2  }
0x23: {  	[tilespmem:s23], [sflag:$0x1] =	stream.indirect_vreg.gather [hbm4b:s5+s3], $0x80, v4, vm0, $0xb8;
	[tilespmem:$0x10400] =	vst v63  }
0x24: {  	v3 =	vadd.s32 v1, v3  }
0x25: {  	[tilespmem:s24], [sflag:$0x1] =	stream.indirect_vreg.gather [hbm4b:s6+s3], $0x80, v4, vm0, $0xb8;
	[tilespmem:$0x10400] =	vst v63  }
0x26: {  	_ = 	snop  }
0x27: {  	[tilespmem:s25], [sflag:$0x1] =	stream.indirect_vreg.gather [hbm4b:s7+s3], $0x80, v4, vm0, $0xb8;
	[tilespmem:$0x10400] =	vst v63  }
0x28: {  	_ = 	snop  }
0x29: {  	[tilespmem:s29], [sflag:$0x1] =	stream.indirect_vreg.gather [hbm4b:s1+s3], $0x80, v3, vm0, $0xb8;
	[tilespmem:$0x10400] =	vst v63  }
0x2a: {  	_ = 	snop  }
0x2b: {  	[tilespmem:s30], [sflag:$0x1] =	stream.indirect_vreg.gather [hbm4b:s5+s3], $0x80, v3, vm0, $0xb8;
	[tilespmem:$0x10400] =	vst v63  }
0x2c: {  	_ = 	snop  }
0x2d: {  	[tilespmem:s31], [sflag:$0x1] =	stream.indirect_vreg.gather [hbm4b:s6+s3], $0x80, v3, vm0, $0xb8;
	[tilespmem:$0x10400] =	vst v63  }
0x2e: {  	s2 =	simm.s32 $0x3C00  }
0x2f: {  	[tilespmem:s2], [sflag:$0x1] =	stream.indirect_vreg.gather [hbm4b:s7+s3], $0x80, v3, vm0, $0xb8;
	[tilespmem:$0x10400] =	vst v63  }
0x30: {  	v3 =	vld [tilespmem:$0x10];
	_ =	sdelay $0x4  }
0x31: {  	v53 =	vshll.u32 v3, $0x3  }
0x32: {  	v3 =	vand.u32 $0x7, v3;
	v4 =	vand.u32 $0xFFFFFFC0, v53  }
0x33: {  	v3 =	vor.u32 v3, v4  }
0x34: {  	v4 =	vperm.xlane v3, v0;
	_ =	sdelay $0x1  }
0x35: {  	v4 =	vadd.s32 v1, v4;
	_ =	sdelay $0x4  }
0x36: {  	[tilespmem:s10], [sflag:$0x1] =	stream.indirect_vreg.gather [hbm4b:s1+s3], $0x80, v4, vm0, $0xb8;
	[tilespmem:$0x10400] =	vst v63  }
0x37: {  	v3 =	vperm.xlane v3, v2  }
0x38: {  	[tilespmem:s4], [sflag:$0x1] =	stream.indirect_vreg.gather [hbm4b:s5+s3], $0x80, v4, vm0, $0xb8;
	[tilespmem:$0x10400] =	vst v63  }
0x39: {  	v3 =	vadd.s32 v1, v3  }
0x3a: {  	[tilespmem:s9], [sflag:$0x1] =	stream.indirect_vreg.gather [hbm4b:s6+s3], $0x80, v4, vm0, $0xb8;
	[tilespmem:$0x10400] =	vst v63  }
0x3b: {  	_ = 	snop  }
0x3c: {  	[tilespmem:s11], [sflag:$0x1] =	stream.indirect_vreg.gather [hbm4b:s7+s3], $0x80, v4, vm0, $0xb8;
	[tilespmem:$0x10400] =	vst v63  }
0x3d: {  	_ = 	snop  }
0x3e: {  	[tilespmem:s12], [sflag:$0x1] =	stream.indirect_vreg.gather [hbm4b:s1+s3], $0x80, v3, vm0, $0xb8;
	[tilespmem:$0x10400] =	vst v63  }
0x3f: {  	_ = 	snop  }
0x40: {  	[tilespmem:s13], [sflag:$0x1] =	stream.indirect_vreg.gather [hbm4b:s5+s3], $0x80, v3, vm0, $0xb8;
	[tilespmem:$0x10400] =	vst v63  }
0x41: {  	_ = 	snop  }
0x42: {  	[tilespmem:s14], [sflag:$0x1] =	stream.indirect_vreg.gather [hbm4b:s6+s3], $0x80, v3, vm0, $0xb8;
	[tilespmem:$0x10400] =	vst v63  }
0x43: {  	_ = 	snop  }
0x44: {  	[tilespmem:s15], [sflag:$0x1] =	stream.indirect_vreg.gather [hbm4b:s7+s3], $0x80, v3, vm0, $0xb8;
	[tilespmem:$0x10400] =	vst v63  }
0x45: {  	_ =	swait.ge [sflag:s26], $0x8000  }
0x46: {  	[sflag:s26] =	ssyncset.done $0x0  }
0x47: {  	[sflag:s26] =	ssyncadd.s32 $0xFFFF8000  }
0x48: {  	v3 =	vld [tilespmem:$0x80];
	_ =	sdelay $0x4  }
0x49: {  	v54 =	vshll.u32 v3, $0x3  }
0x4a: {  	v3 =	vand.u32 $0x7, v3;
	v4 =	vand.u32 $0xFFFFFFC0, v54  }
0x4b: {  	v3 =	vor.u32 v3, v4  }
0x4c: {  	v4 =	vperm.xlane v3, v0;
	_ =	sdelay $0x1  }
0x4d: {  	v4 =	vadd.s32 v1, v4;
	_ =	sdelay $0x4  }
0x4e: {  	[tilespmem:s0], [sflag:$0x2] =	stream.indirect_vreg.gather [hbm4b:s1+s3], $0x80, v4, vm0, $0xb8;
	[tilespmem:$0x10400] =	vst v63  }
0x4f: {  	s16 =	simm.s32 $0x8C00;
	v3 =	vperm.xlane v3, v2  }
0x50: {  	[tilespmem:s16], [sflag:$0x2] =	stream.indirect_vreg.gather [hbm4b:s5+s3], $0x80, v4, vm0, $0xb8;
	[tilespmem:$0x10400] =	vst v63  }
0x51: {  	v3 =	vadd.s32 v1, v3  }
0x52: {  	[tilespmem:s17], [sflag:$0x2] =	stream.indirect_vreg.gather [hbm4b:s6+s3], $0x80, v4, vm0, $0xb8;
	[tilespmem:$0x10400] =	vst v63  }
0x53: {  	_ = 	snop  }
0x54: {  	[tilespmem:s18], [sflag:$0x2] =	stream.indirect_vreg.gather [hbm4b:s7+s3], $0x80, v4, vm0, $0xb8;
	[tilespmem:$0x10400] =	vst v63  }
0x55: {  	s22 =	simm.s32 $0xA400  }
0x56: {  	[tilespmem:s22], [sflag:$0x2] =	stream.indirect_vreg.gather [hbm4b:s1+s3], $0x80, v3, vm0, $0xb8;
	[tilespmem:$0x10400] =	vst v63  }
0x57: {  	s22 =	simm.s32 $0xAC00  }
0x58: {  	[tilespmem:s22], [sflag:$0x2] =	stream.indirect_vreg.gather [hbm4b:s5+s3], $0x80, v3, vm0, $0xb8;
	[tilespmem:$0x10400] =	vst v63  }
0x59: {  	s22 =	simm.s32 $0xB400  }
0x5a: {  	[tilespmem:s22], [sflag:$0x2] =	stream.indirect_vreg.gather [hbm4b:s6+s3], $0x80, v3, vm0, $0xb8;
	[tilespmem:$0x10400] =	vst v63  }
0x5b: {  	s22 =	simm.s32 $0xBC00  }
0x5c: {  	[tilespmem:s22], [sflag:$0x2] =	stream.indirect_vreg.gather [hbm4b:s7+s3], $0x80, v3, vm0, $0xb8;
	[tilespmem:$0x10400] =	vst v63  }
0x5d: {  	v3 =	vld [tilespmem:$0x90];
	_ =	sdelay $0x4  }
0x5e: {  	v55 =	vshll.u32 v3, $0x3  }
0x5f: {  	v3 =	vand.u32 $0x7, v3;
	v4 =	vand.u32 $0xFFFFFFC0, v55  }
0x60: {  	v3 =	vor.u32 v3, v4  }
0x61: {  	v4 =	vperm.xlane v3, v0;
	_ =	sdelay $0x1  }
0x62: {  	v4 =	vadd.s32 v1, v4;
	_ =	sdelay $0x3  }
0x63: {  	s22 =	simm.s32 $0xC400  }
0x64: {  	[tilespmem:s22], [sflag:$0x2] =	stream.indirect_vreg.gather [hbm4b:s1+s3], $0x80, v4, vm0, $0xb8;
	[tilespmem:$0x10400] =	vst v63  }
0x65: {  	v3 =	vperm.xlane v3, v2;
	s22 =	simm.s32 $0xCC00  }
0x66: {  	[tilespmem:s22], [sflag:$0x2] =	stream.indirect_vreg.gather [hbm4b:s5+s3], $0x80, v4, vm0, $0xb8;
	[tilespmem:$0x10400] =	vst v63  }
0x67: {  	v3 =	vadd.s32 v1, v3;
	s22 =	simm.s32 $0xD400  }
0x68: {  	[tilespmem:s22], [sflag:$0x2] =	stream.indirect_vreg.gather [hbm4b:s6+s3], $0x80, v4, vm0, $0xb8;
	[tilespmem:$0x10400] =	vst v63  }
0x69: {  	s22 =	simm.s32 $0xDC00  }
0x6a: {  	[tilespmem:s22], [sflag:$0x2] =	stream.indirect_vreg.gather [hbm4b:s7+s3], $0x80, v4, vm0, $0xb8;
	[tilespmem:$0x10400] =	vst v63  }
0x6b: {  	s22 =	simm.s32 $0xE400  }
0x6c: {  	[tilespmem:s22], [sflag:$0x2] =	stream.indirect_vreg.gather [hbm4b:s1+s3], $0x80, v3, vm0, $0xb8;
	[tilespmem:$0x10400] =	vst v63  }
0x6d: {  	s22 =	simm.s32 $0xEC00  }
0x6e: {  	[tilespmem:s22], [sflag:$0x2] =	stream.indirect_vreg.gather [hbm4b:s5+s3], $0x80, v3, vm0, $0xb8;
	[tilespmem:$0x10400] =	vst v63  }
0x6f: {  	s22 =	simm.s32 $0xF400  }
0x70: {  	[tilespmem:s22], [sflag:$0x2] =	stream.indirect_vreg.gather [hbm4b:s6+s3], $0x80, v3, vm0, $0xb8;
	[tilespmem:$0x10400] =	vst v63  }
0x71: {  	s16 =	simm.s32 $0xFC00  }
0x72: {  	[tilespmem:s16], [sflag:$0x2] =	stream.indirect_vreg.gather [hbm4b:s7+s3], $0x80, v3, vm0, $0xb8;
	[tilespmem:$0x10400] =	vst v63  }
0x73: {  	s16 =	rddreg [dreg:$0xa]  }
0x74: {  	[hbm4b:s16+s3] =	stream.linear.scatter [tilespmem:s28], [sflag:$0x3], $0x8000, $0x38;
	[tilespmem:$0x10400] =	vst v63  }
0x75: {  	_ =	swait.ge [sflag:s19], $0x8000  }
0x76: {  	[sflag:s19] =	ssyncset.done $0x0  }
0x77: {  	[sflag:s19] =	ssyncadd.s32 $0xFFFF8000  }
0x78: {  	_ =	swait.ge [sflag:s20], $0x8000  }
0x79: {  	[sflag:s20] =	ssyncset.done $0x0  }
0x7a: {  	[sflag:s20] =	ssyncadd.s32 $0xFFFF8000  }
0x7b: {  	v3 =	vld [tilespmem:$0x100];
	_ =	sdelay $0x4  }
0x7c: {  	v56 =	vshll.u32 v3, $0x3  }
0x7d: {  	v3 =	vand.u32 $0x7, v3;
	v4 =	vand.u32 $0xFFFFFFC0, v56  }
0x7e: {  	v3 =	vor.u32 v3, v4  }
0x7f: {  	v4 =	vperm.xlane v3, v0;
	_ =	sdelay $0x1  }
0x80: {  	v4 =	vadd.s32 v1, v4;
	_ =	sdelay $0x4  }
0x81: {  	[tilespmem:s28], [sflag:$0x1] =	stream.indirect_vreg.gather [hbm4b:s1+s3], $0x80, v4, vm0, $0xb8;
	[tilespmem:$0x10400] =	vst v63  }
0x82: {  	v3 =	vperm.xlane v3, v2  }
0x83: {  	[tilespmem:s23], [sflag:$0x1] =	stream.indirect_vreg.gather [hbm4b:s5+s3], $0x80, v4, vm0, $0xb8;
	[tilespmem:$0x10400] =	vst v63  }
0x84: {  	v3 =	vadd.s32 v1, v3  }
0x85: {  	[tilespmem:s24], [sflag:$0x1] =	stream.indirect_vreg.gather [hbm4b:s6+s3], $0x80, v4, vm0, $0xb8;
	[tilespmem:$0x10400] =	vst v63  }
0x86: {  	_ = 	snop  }
0x87: {  	[tilespmem:s25], [sflag:$0x1] =	stream.indirect_vreg.gather [hbm4b:s7+s3], $0x80, v4, vm0, $0xb8;
	[tilespmem:$0x10400] =	vst v63  }
0x88: {  	_ = 	snop  }
0x89: {  	[tilespmem:s29], [sflag:$0x1] =	stream.indirect_vreg.gather [hbm4b:s1+s3], $0x80, v3, vm0, $0xb8;
	[tilespmem:$0x10400] =	vst v63  }
0x8a: {  	_ = 	snop  }
0x8b: {  	[tilespmem:s30], [sflag:$0x1] =	stream.indirect_vreg.gather [hbm4b:s5+s3], $0x80, v3, vm0, $0xb8;
	[tilespmem:$0x10400] =	vst v63  }
0x8c: {  	_ = 	snop  }
0x8d: {  	[tilespmem:s31], [sflag:$0x1] =	stream.indirect_vreg.gather [hbm4b:s6+s3], $0x80, v3, vm0, $0xb8;
	[tilespmem:$0x10400] =	vst v63  }
0x8e: {  	_ = 	snop  }
0x8f: {  	[tilespmem:s2], [sflag:$0x1] =	stream.indirect_vreg.gather [hbm4b:s7+s3], $0x80, v3, vm0, $0xb8;
	[tilespmem:$0x10400] =	vst v63  }
0x90: {  	v3 =	vld [tilespmem:$0x110];
	_ =	sdelay $0x4  }
0x91: {  	v57 =	vshll.u32 v3, $0x3  }
0x92: {  	v3 =	vand.u32 $0x7, v3;
	v4 =	vand.u32 $0xFFFFFFC0, v57  }
0x93: {  	v3 =	vor.u32 v3, v4  }
0x94: {  	v4 =	vperm.xlane v3, v0;
	_ =	sdelay $0x1  }
0x95: {  	v4 =	vadd.s32 v1, v4;
	_ =	sdelay $0x4  }
0x96: {  	[tilespmem:s10], [sflag:$0x1] =	stream.indirect_vreg.gather [hbm4b:s1+s3], $0x80, v4, vm0, $0xb8;
	[tilespmem:$0x10400] =	vst v63  }
0x97: {  	v3 =	vperm.xlane v3, v2  }
0x98: {  	[tilespmem:s4], [sflag:$0x1] =	stream.indirect_vreg.gather [hbm4b:s5+s3], $0x80, v4, vm0, $0xb8;
	[tilespmem:$0x10400] =	vst v63  }
0x99: {  	v3 =	vadd.s32 v1, v3  }
0x9a: {  	[tilespmem:s9], [sflag:$0x1] =	stream.indirect_vreg.gather [hbm4b:s6+s3], $0x80, v4, vm0, $0xb8;
	[tilespmem:$0x10400] =	vst v63  }
0x9b: {  	_ = 	snop  }
0x9c: {  	[tilespmem:s11], [sflag:$0x1] =	stream.indirect_vreg.gather [hbm4b:s7+s3], $0x80, v4, vm0, $0xb8;
	[tilespmem:$0x10400] =	vst v63  }
0x9d: {  	_ = 	snop  }
0x9e: {  	[tilespmem:s12], [sflag:$0x1] =	stream.indirect_vreg.gather [hbm4b:s1+s3], $0x80, v3, vm0, $0xb8;
	[tilespmem:$0x10400] =	vst v63  }
0x9f: {  	_ = 	snop  }
0xa0: {  	[tilespmem:s13], [sflag:$0x1] =	stream.indirect_vreg.gather [hbm4b:s5+s3], $0x80, v3, vm0, $0xb8;
	[tilespmem:$0x10400] =	vst v63  }
0xa1: {  	_ = 	snop  }
0xa2: {  	[tilespmem:s14], [sflag:$0x1] =	stream.indirect_vreg.gather [hbm4b:s6+s3], $0x80, v3, vm0, $0xb8;
	[tilespmem:$0x10400] =	vst v63  }
0xa3: {  	_ = 	snop  }
0xa4: {  	[tilespmem:s15], [sflag:$0x1] =	stream.indirect_vreg.gather [hbm4b:s7+s3], $0x80, v3, vm0, $0xb8;
	[tilespmem:$0x10400] =	vst v63  }
0xa5: {  	s16 =	rddreg [dreg:$0x5]  }
0xa6: {  	[hbm4b:s16+s3] =	stream.linear.scatter [tilespmem:s0], [sflag:$0x4], $0x8000, $0x38;
	[tilespmem:$0x10400] =	vst v63  }
0xa7: {  	_ =	swait.ge [sflag:s26], $0x8000  }
0xa8: {  	[sflag:s26] =	ssyncset.done $0x0  }
0xa9: {  	[sflag:s26] =	ssyncadd.s32 $0xFFFF8000  }
0xaa: {  	_ =	swait.ge [sflag:s21], $0x8000  }
0xab: {  	[sflag:s21] =	ssyncset.done $0x0  }
0xac: {  	[sflag:s21] =	ssyncadd.s32 $0xFFFF8000  }
0xad: {  	v3 =	vld [tilespmem:$0x180];
	_ =	sdelay $0x4  }
0xae: {  	v58 =	vshll.u32 v3, $0x3  }
0xaf: {  	v3 =	vand.u32 $0x7, v3;
	v4 =	vand.u32 $0xFFFFFFC0, v58  }
0xb0: {  	v3 =	vor.u32 v3, v4  }
0xb1: {  	v4 =	vperm.xlane v3, v0;
	_ =	sdelay $0x1  }
0xb2: {  	v4 =	vadd.s32 v1, v4;
	_ =	sdelay $0x4  }
0xb3: {  	[tilespmem:s0], [sflag:$0x2] =	stream.indirect_vreg.gather [hbm4b:s1+s3], $0x80, v4, vm0, $0xb8;
	[tilespmem:$0x10400] =	vst v63  }
0xb4: {  	s22 =	simm.s32 $0x8C00;
	v3 =	vperm.xlane v3, v2  }
0xb5: {  	[tilespmem:s22], [sflag:$0x2] =	stream.indirect_vreg.gather [hbm4b:s5+s3], $0x80, v4, vm0, $0xb8;
	[tilespmem:$0x10400] =	vst v63  }
0xb6: {  	v3 =	vadd.s32 v1, v3  }
0xb7: {  	[tilespmem:s17], [sflag:$0x2] =	stream.indirect_vreg.gather [hbm4b:s6+s3], $0x80, v4, vm0, $0xb8;
	[tilespmem:$0x10400] =	vst v63  }
0xb8: {  	_ = 	snop  }
0xb9: {  	[tilespmem:s18], [sflag:$0x2] =	stream.indirect_vreg.gather [hbm4b:s7+s3], $0x80, v4, vm0, $0xb8;
	[tilespmem:$0x10400] =	vst v63  }
0xba: {  	s22 =	simm.s32 $0xA400  }
0xbb: {  	[tilespmem:s22], [sflag:$0x2] =	stream.indirect_vreg.gather [hbm4b:s1+s3], $0x80, v3, vm0, $0xb8;
	[tilespmem:$0x10400] =	vst v63  }
0xbc: {  	s22 =	simm.s32 $0xAC00  }
0xbd: {  	[tilespmem:s22], [sflag:$0x2] =	stream.indirect_vreg.gather [hbm4b:s5+s3], $0x80, v3, vm0, $0xb8;
	[tilespmem:$0x10400] =	vst v63  }
0xbe: {  	s22 =	simm.s32 $0xB400  }
0xbf: {  	[tilespmem:s22], [sflag:$0x2] =	stream.indirect_vreg.gather [hbm4b:s6+s3], $0x80, v3, vm0, $0xb8;
	[tilespmem:$0x10400] =	vst v63  }
0xc0: {  	s22 =	simm.s32 $0xBC00  }
0xc1: {  	[tilespmem:s22], [sflag:$0x2] =	stream.indirect_vreg.gather [hbm4b:s7+s3], $0x80, v3, vm0, $0xb8;
	[tilespmem:$0x10400] =	vst v63  }
0xc2: {  	v3 =	vld [tilespmem:$0x190];
	_ =	sdelay $0x4  }
0xc3: {  	v59 =	vshll.u32 v3, $0x3  }
0xc4: {  	v3 =	vand.u32 $0x7, v3;
	v4 =	vand.u32 $0xFFFFFFC0, v59  }
0xc5: {  	v3 =	vor.u32 v3, v4  }
0xc6: {  	v4 =	vperm.xlane v3, v0;
	_ =	sdelay $0x1  }
0xc7: {  	v4 =	vadd.s32 v1, v4;
	_ =	sdelay $0x3  }
0xc8: {  	s22 =	simm.s32 $0xC400  }
0xc9: {  	[tilespmem:s22], [sflag:$0x2] =	stream.indirect_vreg.gather [hbm4b:s1+s3], $0x80, v4, vm0, $0xb8;
	[tilespmem:$0x10400] =	vst v63  }
0xca: {  	v3 =	vperm.xlane v3, v2;
	s22 =	simm.s32 $0xCC00  }
0xcb: {  	[tilespmem:s22], [sflag:$0x2] =	stream.indirect_vreg.gather [hbm4b:s5+s3], $0x80, v4, vm0, $0xb8;
	[tilespmem:$0x10400] =	vst v63  }
0xcc: {  	v3 =	vadd.s32 v1, v3;
	s22 =	simm.s32 $0xD400  }
0xcd: {  	[tilespmem:s22], [sflag:$0x2] =	stream.indirect_vreg.gather [hbm4b:s6+s3], $0x80, v4, vm0, $0xb8;
	[tilespmem:$0x10400] =	vst v63  }
0xce: {  	s22 =	simm.s32 $0xDC00  }
0xcf: {  	[tilespmem:s22], [sflag:$0x2] =	stream.indirect_vreg.gather [hbm4b:s7+s3], $0x80, v4, vm0, $0xb8;
	[tilespmem:$0x10400] =	vst v63  }
0xd0: {  	s22 =	simm.s32 $0xE400  }
0xd1: {  	[tilespmem:s22], [sflag:$0x2] =	stream.indirect_vreg.gather [hbm4b:s1+s3], $0x80, v3, vm0, $0xb8;
	[tilespmem:$0x10400] =	vst v63  }
0xd2: {  	s22 =	simm.s32 $0xEC00  }
0xd3: {  	[tilespmem:s22], [sflag:$0x2] =	stream.indirect_vreg.gather [hbm4b:s5+s3], $0x80, v3, vm0, $0xb8;
	[tilespmem:$0x10400] =	vst v63  }
0xd4: {  	s22 =	simm.s32 $0xF400  }
0xd5: {  	[tilespmem:s22], [sflag:$0x2] =	stream.indirect_vreg.gather [hbm4b:s6+s3], $0x80, v3, vm0, $0xb8;
	[tilespmem:$0x10400] =	vst v63  }
0xd6: {  	s16 =	simm.s32 $0xFC00  }
0xd7: {  	[tilespmem:s16], [sflag:$0x2] =	stream.indirect_vreg.gather [hbm4b:s7+s3], $0x80, v3, vm0, $0xb8;
	[tilespmem:$0x10400] =	vst v63  }
0xd8: {  	s22 =	rddreg [dreg:$0x6]  }
0xd9: {  	[hbm4b:s22+s3] =	stream.linear.scatter [tilespmem:s28], [sflag:$0x3], $0x8000, $0x38;
	[tilespmem:$0x10400] =	vst v63  }
0xda: {  	_ =	swait.ge [sflag:s19], $0x8000  }
0xdb: {  	[sflag:s19] =	ssyncset.done $0x0  }
0xdc: {  	[sflag:s19] =	ssyncadd.s32 $0xFFFF8000  }
0xdd: {  	_ =	swait.ge [sflag:s20], $0x8000  }
0xde: {  	[sflag:s20] =	ssyncset.done $0x0  }
0xdf: {  	[sflag:s20] =	ssyncadd.s32 $0xFFFF8000  }
0xe0: {  	v3 =	vld [tilespmem:$0x200];
	_ =	sdelay $0x4  }
0xe1: {  	v60 =	vshll.u32 v3, $0x3  }
0xe2: {  	v3 =	vand.u32 $0x7, v3;
	v4 =	vand.u32 $0xFFFFFFC0, v60  }
0xe3: {  	v3 =	vor.u32 v3, v4  }
0xe4: {  	v4 =	vperm.xlane v3, v0;
	_ =	sdelay $0x1  }
0xe5: {  	v4 =	vadd.s32 v1, v4;
	_ =	sdelay $0x4  }
0xe6: {  	[tilespmem:s28], [sflag:$0x1] =	stream.indirect_vreg.gather [hbm4b:s1+s3], $0x80, v4, vm0, $0xb8;
	[tilespmem:$0x10400] =	vst v63  }
0xe7: {  	v3 =	vperm.xlane v3, v2  }
0xe8: {  	[tilespmem:s23], [sflag:$0x1] =	stream.indirect_vreg.gather [hbm4b:s5+s3], $0x80, v4, vm0, $0xb8;
	[tilespmem:$0x10400] =	vst v63  }
0xe9: {  	v3 =	vadd.s32 v1, v3  }
0xea: {  	[tilespmem:s24], [sflag:$0x1] =	stream.indirect_vreg.gather [hbm4b:s6+s3], $0x80, v4, vm0, $0xb8;
	[tilespmem:$0x10400] =	vst v63  }
0xeb: {  	_ = 	snop  }
0xec: {  	[tilespmem:s25], [sflag:$0x1] =	stream.indirect_vreg.gather [hbm4b:s7+s3], $0x80, v4, vm0, $0xb8;
	[tilespmem:$0x10400] =	vst v63  }
0xed: {  	_ = 	snop  }
0xee: {  	[tilespmem:s29], [sflag:$0x1] =	stream.indirect_vreg.gather [hbm4b:s1+s3], $0x80, v3, vm0, $0xb8;
	[tilespmem:$0x10400] =	vst v63  }
0xef: {  	_ = 	snop  }
0xf0: {  	[tilespmem:s30], [sflag:$0x1] =	stream.indirect_vreg.gather [hbm4b:s5+s3], $0x80, v3, vm0, $0xb8;
	[tilespmem:$0x10400] =	vst v63  }
0xf1: {  	_ = 	snop  }
0xf2: {  	[tilespmem:s31], [sflag:$0x1] =	stream.indirect_vreg.gather [hbm4b:s6+s3], $0x80, v3, vm0, $0xb8;
	[tilespmem:$0x10400] =	vst v63  }
0xf3: {  	_ = 	snop  }
0xf4: {  	[tilespmem:s2], [sflag:$0x1] =	stream.indirect_vreg.gather [hbm4b:s7+s3], $0x80, v3, vm0, $0xb8;
	[tilespmem:$0x10400] =	vst v63  }
0xf5: {  	v3 =	vld [tilespmem:$0x210];
	_ =	sdelay $0x4  }
0xf6: {  	v61 =	vshll.u32 v3, $0x3  }
0xf7: {  	v3 =	vand.u32 $0x7, v3;
	v4 =	vand.u32 $0xFFFFFFC0, v61  }
0xf8: {  	v3 =	vor.u32 v3, v4  }
0xf9: {  	v4 =	vperm.xlane v3, v0;
	_ =	sdelay $0x1  }
0xfa: {  	v4 =	vadd.s32 v1, v4;
	_ =	sdelay $0x4  }
0xfb: {  	[tilespmem:s10], [sflag:$0x1] =	stream.indirect_vreg.gather [hbm4b:s1+s3], $0x80, v4, vm0, $0xb8;
	[tilespmem:$0x10400] =	vst v63  }
0xfc: {  	v3 =	vperm.xlane v3, v2  }
0xfd: {  	[tilespmem:s4], [sflag:$0x1] =	stream.indirect_vreg.gather [hbm4b:s5+s3], $0x80, v4, vm0, $0xb8;
	[tilespmem:$0x10400] =	vst v63  }
0xfe: {  	v3 =	vadd.s32 v1, v3  }
0xff: {  	[tilespmem:s9], [sflag:$0x1] =	stream.indirect_vreg.gather [hbm4b:s6+s3], $0x80, v4, vm0, $0xb8;
	[tilespmem:$0x10400] =	vst v63  }
0x100: {  	_ = 	snop  }
0x101: {  	[tilespmem:s11], [sflag:$0x1] =	stream.indirect_vreg.gather [hbm4b:s7+s3], $0x80, v4, vm0, $0xb8;
	[tilespmem:$0x10400] =	vst v63  }
0x102: {  	_ = 	snop  }
0x103: {  	[tilespmem:s12], [sflag:$0x1] =	stream.indirect_vreg.gather [hbm4b:s1+s3], $0x80, v3, vm0, $0xb8;
	[tilespmem:$0x10400] =	vst v63  }
0x104: {  	_ = 	snop  }
0x105: {  	[tilespmem:s13], [sflag:$0x1] =	stream.indirect_vreg.gather [hbm4b:s5+s3], $0x80, v3, vm0, $0xb8;
	[tilespmem:$0x10400] =	vst v63  }
0x106: {  	_ = 	snop  }
0x107: {  	[tilespmem:s14], [sflag:$0x1] =	stream.indirect_vreg.gather [hbm4b:s6+s3], $0x80, v3, vm0, $0xb8;
	[tilespmem:$0x10400] =	vst v63  }
0x108: {  	_ = 	snop  }
0x109: {  	[tilespmem:s15], [sflag:$0x1] =	stream.indirect_vreg.gather [hbm4b:s7+s3], $0x80, v3, vm0, $0xb8;
	[tilespmem:$0x10400] =	vst v63  }
0x10a: {  	s2 =	rddreg [dreg:$0x7]  }
0x10b: {  	[hbm4b:s2+s3] =	stream.linear.scatter [tilespmem:s0], [sflag:$0x4], $0x8000, $0x38;
	[tilespmem:$0x10400] =	vst v63  }
0x10c: {  	_ =	swait.ge [sflag:s26], $0x8000  }
0x10d: {  	[sflag:s26] =	ssyncset.done $0x0  }
0x10e: {  	[sflag:s26] =	ssyncadd.s32 $0xFFFF8000  }
0x10f: {  	_ =	swait.ge [sflag:s21], $0x8000  }
0x110: {  	[sflag:s21] =	ssyncset.done $0x0  }
0x111: {  	[sflag:s21] =	ssyncadd.s32 $0xFFFF8000  }
0x112: {  	v3 =	vld [tilespmem:$0x280];
	_ =	sdelay $0x4  }
0x113: {  	v62 =	vshll.u32 v3, $0x3  }
0x114: {  	v3 =	vand.u32 $0x7, v3;
	v4 =	vand.u32 $0xFFFFFFC0, v62  }
0x115: {  	v3 =	vor.u32 v3, v4  }
0x116: {  	v4 =	vperm.xlane v3, v0;
	_ =	sdelay $0x1  }
0x117: {  	v4 =	vadd.s32 v1, v4;
	_ =	sdelay $0x4  }
0x118: {  	[tilespmem:s0], [sflag:$0x2] =	stream.indirect_vreg.gather [hbm4b:s1+s3], $0x80, v4, vm0, $0xb8;
	[tilespmem:$0x10400] =	vst v63  }
0x119: {  	s22 =	simm.s32 $0x8C00;
	v3 =	vperm.xlane v3, v2  }
0x11a: {  	[tilespmem:s22], [sflag:$0x2] =	stream.indirect_vreg.gather [hbm4b:s5+s3], $0x80, v4, vm0, $0xb8;
	[tilespmem:$0x10400] =	vst v63  }
0x11b: {  	v3 =	vadd.s32 v1, v3  }
0x11c: {  	[tilespmem:s17], [sflag:$0x2] =	stream.indirect_vreg.gather [hbm4b:s6+s3], $0x80, v4, vm0, $0xb8;
	[tilespmem:$0x10400] =	vst v63  }
0x11d: {  	_ = 	snop  }
0x11e: {  	[tilespmem:s18], [sflag:$0x2] =	stream.indirect_vreg.gather [hbm4b:s7+s3], $0x80, v4, vm0, $0xb8;
	[tilespmem:$0x10400] =	vst v63  }
0x11f: {  	s22 =	simm.s32 $0xA400  }
0x120: {  	[tilespmem:s22], [sflag:$0x2] =	stream.indirect_vreg.gather [hbm4b:s1+s3], $0x80, v3, vm0, $0xb8;
	[tilespmem:$0x10400] =	vst v63  }
0x121: {  	s22 =	simm.s32 $0xAC00  }
0x122: {  	[tilespmem:s22], [sflag:$0x2] =	stream.indirect_vreg.gather [hbm4b:s5+s3], $0x80, v3, vm0, $0xb8;
	[tilespmem:$0x10400] =	vst v63  }
0x123: {  	s22 =	simm.s32 $0xB400  }
0x124: {  	[tilespmem:s22], [sflag:$0x2] =	stream.indirect_vreg.gather [hbm4b:s6+s3], $0x80, v3, vm0, $0xb8;
	[tilespmem:$0x10400] =	vst v63  }
0x125: {  	s22 =	simm.s32 $0xBC00  }
0x126: {  	[tilespmem:s22], [sflag:$0x2] =	stream.indirect_vreg.gather [hbm4b:s7+s3], $0x80, v3, vm0, $0xb8;
	[tilespmem:$0x10400] =	vst v63  }
0x127: {  	v3 =	vld [tilespmem:$0x290];
	_ =	sdelay $0x4  }
0x128: {  	v63 =	vshll.u32 v3, $0x3  }
0x129: {  	v3 =	vand.u32 $0x7, v3;
	v4 =	vand.u32 $0xFFFFFFC0, v63  }
0x12a: {  	v3 =	vor.u32 v3, v4  }
0x12b: {  	v4 =	vperm.xlane v3, v0;
	_ =	sdelay $0x1  }
0x12c: {  	v4 =	vadd.s32 v1, v4;
	_ =	sdelay $0x3  }
0x12d: {  	s22 =	simm.s32 $0xC400  }
0x12e: {  	[tilespmem:s22], [sflag:$0x2] =	stream.indirect_vreg.gather [hbm4b:s1+s3], $0x80, v4, vm0, $0xb8;
	[tilespmem:$0x10400] =	vst v63  }
0x12f: {  	v3 =	vperm.xlane v3, v2;
	s22 =	simm.s32 $0xCC00  }
0x130: {  	[tilespmem:s22], [sflag:$0x2] =	stream.indirect_vreg.gather [hbm4b:s5+s3], $0x80, v4, vm0, $0xb8;
	[tilespmem:$0x10400] =	vst v63  }
0x131: {  	v3 =	vadd.s32 v1, v3;
	s22 =	simm.s32 $0xD400  }
0x132: {  	[tilespmem:s22], [sflag:$0x2] =	stream.indirect_vreg.gather [hbm4b:s6+s3], $0x80, v4, vm0, $0xb8;
	[tilespmem:$0x10400] =	vst v63  }
0x133: {  	s22 =	simm.s32 $0xDC00  }
0x134: {  	[tilespmem:s22], [sflag:$0x2] =	stream.indirect_vreg.gather [hbm4b:s7+s3], $0x80, v4, vm0, $0xb8;
	[tilespmem:$0x10400] =	vst v63  }
0x135: {  	s22 =	simm.s32 $0xE400  }
0x136: {  	[tilespmem:s22], [sflag:$0x2] =	stream.indirect_vreg.gather [hbm4b:s1+s3], $0x80, v3, vm0, $0xb8;
	[tilespmem:$0x10400] =	vst v63  }
0x137: {  	s22 =	simm.s32 $0xEC00  }
0x138: {  	[tilespmem:s22], [sflag:$0x2] =	stream.indirect_vreg.gather [hbm4b:s5+s3], $0x80, v3, vm0, $0xb8;
	[tilespmem:$0x10400] =	vst v63  }
0x139: {  	s22 =	simm.s32 $0xF400  }
0x13a: {  	[tilespmem:s22], [sflag:$0x2] =	stream.indirect_vreg.gather [hbm4b:s6+s3], $0x80, v3, vm0, $0xb8;
	[tilespmem:$0x10400] =	vst v63  }
0x13b: {  	s16 =	simm.s32 $0xFC00  }
0x13c: {  	[tilespmem:s16], [sflag:$0x2] =	stream.indirect_vreg.gather [hbm4b:s7+s3], $0x80, v3, vm0, $0xb8;
	[tilespmem:$0x10400] =	vst v63  }
0x13d: {  	s2 =	rddreg [dreg:$0x8]  }
0x13e: {  	[hbm4b:s2+s3] =	stream.linear.scatter [tilespmem:s28], [sflag:$0x3], $0x8000, $0x38;
	[tilespmem:$0x10400] =	vst v63  }
0x13f: {  	_ =	swait.ge [sflag:s19], $0x8000  }
0x140: {  	[sflag:s19] =	ssyncset.done $0x0  }
0x141: {  	s16 =	rddreg [dreg:$0x9];
	[sflag:s19] =	ssyncadd.s32 $0xFFFF8000  }
0x142: {  	[hbm4b:s16+s3] =	stream.linear.scatter [tilespmem:s0], [sflag:$0x4], $0x8000, $0x38;
	[tilespmem:$0x10400] =	vst v63  }
0x143: {  	p0 =	sne.s32 s8, $0x1;
	_ =	swait.ge [sflag:s20], $0x8000  }
.Ltmp0:
0x144: {  	[sflag:s20] =	ssyncset.done $0x0;
	(pc) =	sbr.rel @p0 .LBB2_1-.Ltmp0, $4  }
0x145: {  	[sflag:s20] =	ssyncadd.s32 $0xFFFF8000  }
0x146: {  	_ =	swait.ge [sflag:s21], $0x8000  }
0x147: {  	[sflag:s21] =	ssyncset.done $0x0  }
0x148: {  	s8 =	sadd.s32 $0xFFFFFFFF, s8;
	[sflag:s21] =	ssyncadd.s32 $0xFFFF8000  }
0x149: {  	_ =	sfence.sel $0x180000  }
0x14a: {  	[bflag:$0x0] =	sbarrier.arrive $0xFFFF  }
0x14b: {  	_ =	strace $0x90000047  }
0x14c: {  	s0 =	stileid.u32;
	[bflag:$0x2] =	sbarrier.arrive $0xFFFF  }
0x14d: {  	p0 =	sne.s32 s0, $0x0;
	s0 =	rddreg [dreg:$0x3]  }
0x14e: {  	s0 =	sadd.s32 @!p0 $0x100000, s0  }
0x14f: {  	[sflag:s0] =	ssyncadd.tile.s32 @!p0 $0x1;
	_ =	shalt  }
.Lfunc_end2:
_tile_overlayer_lowered:
.L_overlay_start_2:
0x150: {  	(tag) =	ssettag $0x2  }
0x151: {  	s0 =	rddreg [dreg:$0x0];
	s2 =	stileid.u32  }
0x152: {  	s1 =	rddreg [dreg:$0x1];
	p0 =	sne.s32 s2, $0x0  }
0x153: {  	s3 =	rddreg [dreg:$0x2];
	[bflag:$0x3] =	sbarrier.arrive $0xFFFF;
	s2 =	simm.s32 @!p0 $0x1C05  }
0x154: {  	[timem:s3], [sflag:s2] =	dma.local @!p0 [hbm:s0], s1  }
0x155: {  	s0 =	simm.s32 @!p0 $0x5  }
0x156: {  	_ =	swait.ge @!p0 [sflag:s0], s1  }
0x157: {  	s1 =	ssub.s32 @!p0 $0x0, s1;
	[sflag:s0] =	ssyncset.done @!p0 $0x0  }
0x158: {  	[sflag:s0] =	ssyncadd.s32 @!p0 s1  }
0x159: {  	[bflag:$0x3] =	sbarrier.arrive $0xFFFF  }
0x15a: {  	_ =	shalt  }

// kernel: kernel.8.cloned.1.call-start
scs
__scs_entry_jumppad:
0x0: {  	(pc) =	sbr.rel $0x88, $3  }
0x1: {  	(tag) =	ssettag $0x0;
	lr =	simm.s32 $0x1  }
0x2: {  	[smem:$0x3F9C] =	sst lr;
	_ =	strace $0xD0000000  }
0x3: {  	_ = 	snop  }
0x4: {  	_ = 	snop  }
0x5: {  	_ = 	snop  }
0x6: {  	_ = 	snop  }
0x7: {  	_ = 	snop  }
__scs_overlays_trampoline_lowered:
0x8: {  	[smem:$0x3FAB] =	sst s0  }
0x9: {  	[smem:$0x3FAC] =	sst s1  }
0xa: {  	[smem:$0x3FAD] =	sst s2  }
0xb: {  	[smem:$0x3FAE] =	sst s3  }
0xc: {  	[smem:$0x3FAF] =	sst s4  }
0xd: {  	[smem:$0x3FB0] =	sst s5  }
0xe: {  	[smem:$0x3FB1] =	sst s6  }
0xf: {  	[smem:$0x3FB2] =	sst s7  }
0x10: {  	[smem:$0x3FB3] =	sst s8  }
0x11: {  	[smem:$0x3FB4] =	sst s9;
	s0 =	simm.s32 @!p0 $0x0  }
0x12: {  	s1 =	sld [smem:$0x3F9A];
	s0 =	simm.s32 @p0 $0x1  }
0x13: {  	[smem:$0x3FB5] =	sst s0;
	s0 =	simm.s32 @!p1 $0x0  }
0x14: {  	s2 =	sld [smem:$0x3F99];
	s0 =	simm.s32 @p1 $0x1  }
0x15: {  	[smem:$0x3FB6] =	sst s0;
	s0 =	simm.s32 @!p2 $0x0  }
0x16: {  	s3 =	sld [smem:$0x3FDB];
	s0 =	simm.s32 @p2 $0x1  }
0x17: {  	s4 =	simm.s32 $0x1BF5;
	[smem:$0x3FB8] =	sst s0  }
0x18: {  	s0 =	sld [smem:$0x3F9B];
	_ =	swait.ge [sflag:s4], $0x0  }
0x19: {  	s7 =	sld [smem:$0x3F9C]  }
0x1a: {  	s8 =	sadd.s32 $0xFFFFE003, lr  }
0x1b: {  	s9 =	sadd.s32 $0xFFFFFEF7, lr;
	s5 =	simm.s32 $0xFFFFFFFF;
	p2 =	slt.u32 s8, $0xFFFFF086  }
0x1c: {  	p1 =	slt.u32 s9, $0xF7A;
	s5 =	simm.s32 @!p2 $0x0  }
0x1d: {  	s5 =	simm.s32 @p1 $0x1;
	p0 =	seq.s32 s7, s2  }
0x1e: {  	s7 =	smul.u32 @!p0 $0xF7A, s2;
	p2 =	seq.s32 @!p0 s5, $0x0  }
0x1f: {  	s9 =	smul.u32 $0xF7A, s1;
	s8 =	simm.s32 @!p0 $0x1BF5;
	p2 =	por !p2, p0  }
0x20: {  	[sflag:s8] =	ssyncset.s32 @!p0 $0xFFFFF086;
	s6 =	sadd.s32 @!p0 s3, s7;
	s7 =	simm.s32 @!p0 $0x108  }
0x21: {  	s3 =	sadd.s32 s3, s9;
	s6 =	sadd.s32 @!p0 $0x88, s6;
	s7 =	simm.s32 @p2 $0x1082  }
0x22: {  	[simem:s7], [sflag:s8] =	dma.local @!p0 [hbm:s6], $0xF7A  }
0x23: {  	s9 =	sor.u32 $0xD0000000, s2;
	s6 =	simm.s32 $0x108;
	_ =	swait.ge @!p0 [sflag:s8], $0x0  }
0x24: {  	s3 =	sadd.s32 $0x88, s3;
	s6 =	simm.s32 @!p1 $0x1082;
	[sflag:s4] =	ssyncset.s32 $0xFFFFF086  }
0x25: {  	[simem:s6], [sflag:s4] =	dma.local [hbm:s3], $0xF7A  }
0x26: {  	[smem:$0x3F9C] =	sst s1;
	(tag) =	ssettag s2;
	_ =	strace s9  }
0x27: {  	s1 =	sld [smem:$0x3FAC]  }
0x28: {  	s2 =	sld [smem:$0x3FAD]  }
0x29: {  	s4 =	sld [smem:$0x3FAF]  }
0x2a: {  	p0 =	seq.s32 s5, $0x0;
	s5 =	sld [smem:$0x3FB0]  }
0x2b: {  	s6 =	sld [smem:$0x3FB1]  }
0x2c: {  	s7 =	sld [smem:$0x3FB2]  }
0x2d: {  	s3 =	simm.s32 $0x108;
	s8 =	sld [smem:$0x3FB3]  }
0x2e: {  	s3 =	simm.s32 @!p0 $0x1082;
	s9 =	sld [smem:$0x3FB4]  }
0x2f: {  	lr =	sadd.s32 s0, s3;
	s0 =	sld [smem:$0x3FAB]  }
0x30: {  	s3 =	sld [smem:$0x3FAE]  }
0x31: {  	[smem:$0x3FB7] =	sst s10  }
0x32: {  	s10 =	sld [smem:$0x3FB5];
	_ =	sdelay $0x3  }
0x33: {  	p0 =	seq.s32 s10, $0x1;
	s10 =	sld [smem:$0x3FB7];
	_ =	sdelay $0x3  }
0x34: {  	[smem:$0x3FB7] =	sst s10  }
0x35: {  	s10 =	sld [smem:$0x3FB6];
	_ =	sdelay $0x3  }
0x36: {  	p1 =	seq.s32 s10, $0x1;
	s10 =	sld [smem:$0x3FB7];
	_ =	sdelay $0x3  }
0x37: {  	[smem:$0x3FB7] =	sst s10  }
0x38: {  	s10 =	sld [smem:$0x3FB8]  }
0x39: {  	_ = 	snop;
	(pc) =	sbr.ind lr, $3  }
0x3a: {  	_ = 	snop  }
0x3b: {  	_ = 	snop  }
0x3c: {  	p2 =	seq.s32 s10, $0x1;
	s10 =	sld [smem:$0x3FB7]  }
0x3d: {  	_ =	shalt  }
0x3e: {  	_ =	shalt  }
0x3f: {  	_ =	shalt  }
0x40: {  	_ =	shalt  }
0x41: {  	_ =	shalt  }
0x42: {  	_ =	shalt  }
0x43: {  	_ =	shalt  }
0x44: {  	_ =	shalt  }
0x45: {  	_ =	shalt  }
0x46: {  	_ =	shalt  }
0x47: {  	_ =	shalt  }
0x48: {  	_ =	shalt  }
0x49: {  	_ =	shalt  }
0x4a: {  	_ =	shalt  }
0x4b: {  	_ =	shalt  }
0x4c: {  	_ =	shalt  }
0x4d: {  	_ =	shalt  }
0x4e: {  	_ =	shalt  }
0x4f: {  	_ =	shalt  }
0x50: {  	_ =	shalt  }
0x51: {  	_ =	shalt  }
0x52: {  	_ =	shalt  }
0x53: {  	_ =	shalt  }
0x54: {  	_ =	shalt  }
0x55: {  	_ =	shalt  }
0x56: {  	_ =	shalt  }
0x57: {  	_ =	shalt  }
0x58: {  	_ =	shalt  }
0x59: {  	_ =	shalt  }
0x5a: {  	_ =	shalt  }
0x5b: {  	_ =	shalt  }
0x5c: {  	_ =	shalt  }
0x5d: {  	_ =	shalt  }
0x5e: {  	_ =	shalt  }
0x5f: {  	_ =	shalt  }
0x60: {  	_ =	shalt  }
0x61: {  	_ =	shalt  }
0x62: {  	_ =	shalt  }
0x63: {  	_ =	shalt  }
0x64: {  	_ =	shalt  }
0x65: {  	_ =	shalt  }
0x66: {  	_ =	shalt  }
0x67: {  	_ =	shalt  }
0x68: {  	_ =	shalt  }
0x69: {  	_ =	shalt  }
0x6a: {  	_ =	shalt  }
0x6b: {  	_ =	shalt  }
0x6c: {  	_ =	shalt  }
0x6d: {  	_ =	shalt  }
0x6e: {  	_ =	shalt  }
0x6f: {  	_ =	shalt  }
0x70: {  	_ =	shalt  }
0x71: {  	_ =	shalt  }
0x72: {  	_ =	shalt  }
0x73: {  	_ =	shalt  }
0x74: {  	_ =	shalt  }
0x75: {  	_ =	shalt  }
0x76: {  	_ =	shalt  }
0x77: {  	_ =	shalt  }
0x78: {  	_ =	shalt  }
0x79: {  	_ =	shalt  }
0x7a: {  	_ =	shalt  }
0x7b: {  	_ =	shalt  }
0x7c: {  	_ =	shalt  }
0x7d: {  	_ =	shalt  }
0x7e: {  	_ =	shalt  }
0x7f: {  	_ =	shalt  }
0x80: {  	_ =	shalt  }
0x81: {  	_ =	shalt  }
0x82: {  	_ =	shalt  }
0x83: {  	_ =	shalt  }
0x84: {  	_ =	shalt  }
0x85: {  	_ =	shalt  }
0x86: {  	_ =	shalt  }
0x87: {  	_ =	shalt  }
.Lfunc_end0:
.L_simem_size_0:
called_computation.1_lowered:
.L_overlay_start_0:
0x88: {  	s2 =	sld [smem:$0x3FD9]  }
0x89: {  	s3 =	sld [smem:$0x3FFE];
	_ =	sdelay $0x1  }
0x8a: {  	s1 =	srdreg.scid  }
0x8b: {  	s0 =	sand.u32 $0x1, s1  }
0x8c: {  	s14 =	sshll.u32 s0, $0xA;
	s2 =	sadd.s32 s3, s2  }
0x8d: {  	s2 =	sadd.s32 s2, s14  }
0x8e: {  	[smem:$0x3FC3] =	sst s2  }
0x8f: {  	_ = 	snop  }
0x90: {  	s2 =	sld [smem:$0x3FD0];
	_ =	sdelay $0x2  }
0x91: {  	s15 =	simm.s32 $0xA;
	s4 =	simm.s32 $0x10  }
0x92: {  	[smem:s4], [sflag:s15] =	dma.local [hbm:s2], $0x1  }
0x93: {  	_ =	swait.eq [sflag:s15], $0x1  }
0x94: {  	[sflag:s15] =	ssyncset.done $0x0  }
0x95: {  	[sflag:s15] =	ssyncadd.s32 $0xFFFFFFFF  }
0x96: {  	s16 =	sld [smem:$0x10];
	(tm) =	ssettm $0x1  }
0x97: {  	s17 =	sld [smem:$0x3FFB];
	_ =	sdelay $0x3  }
0x98: {  	_ =	strace s17  }
0x99: {  	s3 =	sld [smem:$0x3FFC];
	_ =	sdelay $0x3  }
0x9a: {  	_ =	strace s3  }
0x9b: {  	s3 =	sld [smem:$0x3FFD];
	_ =	sdelay $0x3  }
0x9c: {  	_ =	strace s3  }
0x9d: {  	_ =	strace $0x8FFFFFFF  }
0x9e: {  	s18 =	sld [smem:$0x3FDB];
	_ =	sdelay $0x1  }
0x9f: {  	s19 =	simm.s32 $_scs_section_size  }
0xa0: {  	s5 =	simm.s32 $_size__tile_overlayer_lowered;
	s6 =	simm.s32 $_tile_overlayer_lowered  }
0xa1: {  	s22 =	simm.s32 $0x1BFF;
	s21 =	sshll.u32 s6, $0x1;
	s3 =	sadd.s32 s19, s18  }
0xa2: {  	s7 =	simm.s32 $0x0;
	s20 =	sshll.u32 s5, $0x1;
	s5 =	sadd.s32 s21, s3  }
0xa3: {  	[timem:s7], [sflag:s22] =	dma.local [hbm:s5], s20  }
0xa4: {  	_ =	swait.ge [sflag:s22], s20  }
0xa5: {  	s4 =	ssub.s32 $0x0, s20;
	[sflag:s22] =	ssyncset.done $0x0  }
0xa6: {  	[sflag:s22] =	ssyncadd.s32 s4;
	_ =	sdelay $0x1  }
0xa7: {  	s23 =	simm.s32 $0x1B8B  }
0xa8: {  	_ =	swait.ge [sflag:s23], $0x1  }
0xa9: {  	[sflag:s23] =	ssyncset.done $0x0  }
0xaa: {  	s25 =	simm.s32 $0x1B8E;
	s24 =	sld [smem:$0x3FFE];
	[sflag:s23] =	ssyncadd.s32 $0xFFFFFFFF  }
0xab: {  	s26 =	simm.s32 $execute0_lowered;
	[smem:$0x3FD2] =	sst s25  }
0xac: {  	s5 =	sshll.u32 s26, $0x1;
	_ =	strace $0x80000049;
	[dreg:$0x1] =	wrdreg $0xFFFFFFFF  }
0xad: {  	s28 =	simm.s32 $_size_execute0_lowered;
	s3 =	sadd.s32 s3, s5;
	[dreg:$0x0] =	wrdreg $0x0  }
0xae: {  	s5 =	sshll.u32 s28, $0x1;
	[dreg:$0x2] =	wrdreg s3  }
0xaf: {  	[dreg:$0x3] =	wrdreg s5  }
0xb0: {  	[dreg:$0x4] =	wrdreg $0xC0  }
0xb1: {  	_ =	task [dreg:s7], $0x5FFFF  }
0xb2: {  	[dreg:$0x1] =	wrdreg $0xFFFFFFFF  }
0xb3: {  	[dreg:$0x0] =	wrdreg $0x60  }
0xb4: {  	[dreg:$0x2] =	wrdreg s24  }
0xb5: {  	[dreg:$0x3] =	wrdreg s16  }
0xb6: {  	[dreg:$0x4] =	wrdreg $0x9  }
0xb7: {  	_ =	task.clear_ibuf [dreg:s7], $0x5FFFF;
	_ =	strace $0x90000049  }
0xb8: {  	s29 =	simm.s32 $0x9;
	_ =	strace $0x8000004B  }
0xb9: {  	_ =	swait.ge [sflag:s29], $0x1  }
0xba: {  	[sflag:s29] =	ssyncadd.s32 $0xFFFFFFFF  }
0xbb: {  	_ =	strace $0x9000004B  }
0xbc: {  	_ =	sfence  }
0xbd: {  	s30 =	sld [smem:$0x0];
	_ =	sdelay $0x2  }
0xbe: {  	s31 =	sshll.u32 s1, $0xD;
	s1 =	sshrl.u32 s1, $0x2  }
0xbf: {  	s3 =	sand.u32 $0x4000, s31;
	s1 =	sadd.s32 s1, s30  }
0xc0: {  	s0 =	sor.u32 s3, s0;
	s1 =	sshll.u32 s1, $0x11  }
0xc1: {  	s0 =	sor.u32 s1, s0  }
0xc2: {  	s0 =	sadd.s32 $0x8F2B, s0  }
0xc3: {  	[sflag:s0] =	ssyncadd.remote.s32 $0x1  }
0xc4: {  	_ =	sfence.sel $0xFFFF  }
0xc5: {  	[dreg:$0x0] =	wrdreg $0xFFFFFFFF;
	(pc) =	sbr.abs _section_cstart, $3  }
0xc6: {  	[dreg:$0x1] =	wrdreg $0xFFFFFFFF  }
0xc7: {  	_ =	task.clear_ibuf [dreg:s7], $0x2FFFF;
	_ =	strace $0x9FFFFFFF  }
0xc8: {  	(tm) =	ssettm $0x7FFFFFFF  }
0xc9: {  	_ =	shalt  }
tec
execute0_lowered:
.L_overlay_start_1:
0x0: {  	(tag) =	ssettag $0x1  }
0x1: {  	s0 =	rddreg [dreg:$0x0]  }
0x2: {  	s1 =	rddreg [dreg:$0x1]  }
0x3: {  	s2 =	simm.s32 $0x0;
	s3 =	srdreg.scid;
	s5 =	stileid.u32  }
0x4: {  	s21 =	simm.s32 $0x2;
	s22 =	simm.s32 $0x4;
	s28 =	simm.s32 $0x200  }
0x5: {  	s29 =	simm.s32 $0x1A00;
	s30 =	simm.s32 $0x2200;
	s31 =	simm.s32 $0x2A00  }
0x6: {  	s9 =	simm.s32 $0x3200;
	s11 =	simm.s32 $0x4200;
	s12 =	simm.s32 $0x4A00  }
0x7: {  	s13 =	simm.s32 $0x5200;
	s14 =	simm.s32 $0x5A00;
	s15 =	simm.s32 $0x6200  }
0x8: {  	s16 =	simm.s32 $0x6A00;
	s17 =	simm.s32 $0x7200;
	s18 =	simm.s32 $0x7A00  }
0x9: {  	s19 =	simm.s32 $0x8A00;
	s20 =	simm.s32 $0x9200;
	[smem:$0x7FF] =	sst s2  }
0xa: {  	s4 =	sand.u32 $0x1, s3;
	s24 =	sshll.u32 s5, $0x1;
	s3 =	sadd.s32 $0xC0800, s0  }
0xb: {  	_ =	strace $0x8000004A;
	s5 =	sor.u32 s4, s24;
	s4 =	ssub.s32 $0x2, s4  }
0xc: {  	s24 =	simm.s32 $0xA00;
	s6 =	sshll.u32 s5, $0x6;
	s5 =	sshll.u32 s5, $0xE  }
0xd: {  	s7 =	sshrl.u32 s4, $0x1;
	s6 =	sadd.s32 s6, s0;
	s8 =	sadd.s32 s1, s5  }
0xe: {  	s4 =	ssub.s32 s4, s7;
	s6 =	sadd.s32 $0xC0000, s6;
	[dreg:$0x7] =	wrdreg s8  }
0xf: {  	s5 =	sadd.s32 $0xC0900, s0;
	s1 =	sadd.s32 $0x1000, s8;
	[dreg:$0x3] =	wrdreg s6  }
0x10: {  	s7 =	sadd.s32 $0xC0B00, s0;
	s25 =	sadd.s32 $0x2000, s8;
	[dreg:$0x4] =	wrdreg s1  }
0x11: {  	v2 =	vlaneseq.u32;
	s26 =	sadd.s32 $0x3000, s8;
	s8 =	smax.u32 s4, $0x1;
	[dreg:$0x5] =	wrdreg s25  }
0x12: {  	vm0 =	vmmov $0xffff;
	v1 =	vshrl.u32 v2, $0x3;
	s4 =	simm.s32 $0x3;
	s6 =	sadd.s32 $0xC0A00, s0;
	[dreg:$0x6] =	wrdreg s26  }
0x13: {  	v0 =	vand.u32 $0x7, v2;
	v2 =	vor.u32 $0x8, v2;
	v1 =	vmul.u32 $0x8, v1;
	s25 =	simm.s32 $0x1200;
	s1 =	simm.s32 $0x3A00;
	s26 =	simm.s32 $0x8200  }
.LBB2_1:
0x14: {  	s23 =	rddreg [dreg:$0x3];
	s0 =	simm.s32 $0x5  }
0x15: {  	[tilespmem:s2], [sflag:$0x5] =	stream.linear.gather [hbm4b:s23+s2], $0x200, $0x38;
	[tilespmem:$0x10200] =	vst v63  }
0x16: {  	_ =	swait.ge [sflag:s0], $0x200  }
0x17: {  	[sflag:s0] =	ssyncset.done $0x0  }
0x18: {  	[sflag:s0] =	ssyncadd.s32 $0xFFFFFE00  }
0x19: {  	v3 =	vld [tilespmem:$0x0];
	_ =	sdelay $0x4  }
0x1a: {  	v4 =	vshll.u32 v3, $0x3  }
0x1b: {  	v3 =	vand.u32 $0x7, v3;
	v4 =	vand.u32 $0xFFFFFFC0, v4  }
0x1c: {  	v3 =	vor.u32 v3, v4  }
0x1d: {  	v4 =	vperm.xlane v3, v0;
	_ =	sdelay $0x1  }
0x1e: {  	v4 =	vadd.s32 v1, v4;
	_ =	sdelay $0x4  }
0x1f: {  	[tilespmem:s28], [sflag:$0x1] =	stream.indirect_vreg.gather [hbm4b:s3+s2], $0x80, v4, vm0, $0xb8;
	[tilespmem:$0x10200] =	vst v63  }
0x20: {  	v3 =	vperm.xlane v3, v2  }
0x21: {  	[tilespmem:s24], [sflag:$0x1] =	stream.indirect_vreg.gather [hbm4b:s5+s2], $0x80, v4, vm0, $0xb8;
	[tilespmem:$0x10200] =	vst v63  }
0x22: {  	v3 =	vadd.s32 v1, v3  }
0x23: {  	[tilespmem:s25], [sflag:$0x1] =	stream.indirect_vreg.gather [hbm4b:s6+s2], $0x80, v4, vm0, $0xb8;
	[tilespmem:$0x10200] =	vst v63  }
0x24: {  	_ = 	snop  }
0x25: {  	[tilespmem:s29], [sflag:$0x1] =	stream.indirect_vreg.gather [hbm4b:s7+s2], $0x80, v4, vm0, $0xb8;
	[tilespmem:$0x10200] =	vst v63  }
0x26: {  	_ = 	snop  }
0x27: {  	[tilespmem:s30], [sflag:$0x1] =	stream.indirect_vreg.gather [hbm4b:s3+s2], $0x80, v3, vm0, $0xb8;
	[tilespmem:$0x10200] =	vst v63  }
0x28: {  	_ = 	snop  }
0x29: {  	[tilespmem:s31], [sflag:$0x1] =	stream.indirect_vreg.gather [hbm4b:s5+s2], $0x80, v3, vm0, $0xb8;
	[tilespmem:$0x10200] =	vst v63  }
0x2a: {  	_ = 	snop  }
0x2b: {  	[tilespmem:s9], [sflag:$0x1] =	stream.indirect_vreg.gather [hbm4b:s6+s2], $0x80, v3, vm0, $0xb8;
	[tilespmem:$0x10200] =	vst v63  }
0x2c: {  	_ = 	snop  }
0x2d: {  	[tilespmem:s1], [sflag:$0x1] =	stream.indirect_vreg.gather [hbm4b:s7+s2], $0x80, v3, vm0, $0xb8;
	[tilespmem:$0x10200] =	vst v63  }
0x2e: {  	v3 =	vld [tilespmem:$0x10];
	_ =	sdelay $0x4  }
0x2f: {  	v57 =	vshll.u32 v3, $0x3  }
0x30: {  	v3 =	vand.u32 $0x7, v3;
	v4 =	vand.u32 $0xFFFFFFC0, v57  }
0x31: {  	v3 =	vor.u32 v3, v4  }
0x32: {  	v4 =	vperm.xlane v3, v0;
	_ =	sdelay $0x1  }
0x33: {  	v4 =	vadd.s32 v1, v4;
	_ =	sdelay $0x4  }
0x34: {  	[tilespmem:s11], [sflag:$0x1] =	stream.indirect_vreg.gather [hbm4b:s3+s2], $0x80, v4, vm0, $0xb8;
	[tilespmem:$0x10200] =	vst v63  }
0x35: {  	v3 =	vperm.xlane v3, v2  }
0x36: {  	[tilespmem:s12], [sflag:$0x1] =	stream.indirect_vreg.gather [hbm4b:s5+s2], $0x80, v4, vm0, $0xb8;
	[tilespmem:$0x10200] =	vst v63  }
0x37: {  	v3 =	vadd.s32 v1, v3  }
0x38: {  	[tilespmem:s13], [sflag:$0x1] =	stream.indirect_vreg.gather [hbm4b:s6+s2], $0x80, v4, vm0, $0xb8;
	[tilespmem:$0x10200] =	vst v63  }
0x39: {  	_ = 	snop  }
0x3a: {  	[tilespmem:s14], [sflag:$0x1] =	stream.indirect_vreg.gather [hbm4b:s7+s2], $0x80, v4, vm0, $0xb8;
	[tilespmem:$0x10200] =	vst v63  }
0x3b: {  	_ = 	snop  }
0x3c: {  	[tilespmem:s15], [sflag:$0x1] =	stream.indirect_vreg.gather [hbm4b:s3+s2], $0x80, v3, vm0, $0xb8;
	[tilespmem:$0x10200] =	vst v63  }
0x3d: {  	_ = 	snop  }
0x3e: {  	[tilespmem:s16], [sflag:$0x1] =	stream.indirect_vreg.gather [hbm4b:s5+s2], $0x80, v3, vm0, $0xb8;
	[tilespmem:$0x10200] =	vst v63  }
0x3f: {  	_ = 	snop  }
0x40: {  	[tilespmem:s17], [sflag:$0x1] =	stream.indirect_vreg.gather [hbm4b:s6+s2], $0x80, v3, vm0, $0xb8;
	[tilespmem:$0x10200] =	vst v63  }
0x41: {  	s0 =	simm.s32 $0x1  }
0x42: {  	[tilespmem:s18], [sflag:$0x1] =	stream.indirect_vreg.gather [hbm4b:s7+s2], $0x80, v3, vm0, $0xb8;
	[tilespmem:$0x10200] =	vst v63  }
0x43: {  	_ =	swait.ge [sflag:s0], $0x8000  }
0x44: {  	[sflag:s0] =	ssyncset.done $0x0  }
0x45: {  	[sflag:s0] =	ssyncadd.s32 $0xFFFF8000  }
0x46: {  	v3 =	vld [tilespmem:$0x80];
	_ =	sdelay $0x4  }
0x47: {  	v58 =	vshll.u32 v3, $0x3  }
0x48: {  	v3 =	vand.u32 $0x7, v3;
	v4 =	vand.u32 $0xFFFFFFC0, v58  }
0x49: {  	v3 =	vor.u32 v3, v4  }
0x4a: {  	v4 =	vperm.xlane v3, v0;
	_ =	sdelay $0x1  }
0x4b: {  	v4 =	vadd.s32 v1, v4;
	_ =	sdelay $0x4  }
0x4c: {  	[tilespmem:s26], [sflag:$0x2] =	stream.indirect_vreg.gather [hbm4b:s3+s2], $0x80, v4, vm0, $0xb8;
	[tilespmem:$0x10200] =	vst v63  }
0x4d: {  	v3 =	vperm.xlane v3, v2  }
0x4e: {  	[tilespmem:s19], [sflag:$0x2] =	stream.indirect_vreg.gather [hbm4b:s5+s2], $0x80, v4, vm0, $0xb8;
	[tilespmem:$0x10200] =	vst v63  }
0x4f: {  	v3 =	vadd.s32 v1, v3  }
0x50: {  	[tilespmem:s20], [sflag:$0x2] =	stream.indirect_vreg.gather [hbm4b:s6+s2], $0x80, v4, vm0, $0xb8;
	[tilespmem:$0x10200] =	vst v63  }
0x51: {  	s10 =	simm.s32 $0x9A00  }
0x52: {  	[tilespmem:s10], [sflag:$0x2] =	stream.indirect_vreg.gather [hbm4b:s7+s2], $0x80, v4, vm0, $0xb8;
	[tilespmem:$0x10200] =	vst v63  }
0x53: {  	s10 =	simm.s32 $0xA200  }
0x54: {  	[tilespmem:s10], [sflag:$0x2] =	stream.indirect_vreg.gather [hbm4b:s3+s2], $0x80, v3, vm0, $0xb8;
	[tilespmem:$0x10200] =	vst v63  }
0x55: {  	s23 =	simm.s32 $0xAA00  }
0x56: {  	[tilespmem:s23], [sflag:$0x2] =	stream.indirect_vreg.gather [hbm4b:s5+s2], $0x80, v3, vm0, $0xb8;
	[tilespmem:$0x10200] =	vst v63  }
0x57: {  	s23 =	simm.s32 $0xB200  }
0x58: {  	[tilespmem:s23], [sflag:$0x2] =	stream.indirect_vreg.gather [hbm4b:s6+s2], $0x80, v3, vm0, $0xb8;
	[tilespmem:$0x10200] =	vst v63  }
0x59: {  	s23 =	simm.s32 $0xBA00  }
0x5a: {  	[tilespmem:s23], [sflag:$0x2] =	stream.indirect_vreg.gather [hbm4b:s7+s2], $0x80, v3, vm0, $0xb8;
	[tilespmem:$0x10200] =	vst v63  }
0x5b: {  	v3 =	vld [tilespmem:$0x90];
	_ =	sdelay $0x4  }
0x5c: {  	v59 =	vshll.u32 v3, $0x3  }
0x5d: {  	v3 =	vand.u32 $0x7, v3;
	v4 =	vand.u32 $0xFFFFFFC0, v59  }
0x5e: {  	v3 =	vor.u32 v3, v4  }
0x5f: {  	v4 =	vperm.xlane v3, v0;
	_ =	sdelay $0x1  }
0x60: {  	v4 =	vadd.s32 v1, v4;
	_ =	sdelay $0x3  }
0x61: {  	s23 =	simm.s32 $0xC200  }
0x62: {  	[tilespmem:s23], [sflag:$0x2] =	stream.indirect_vreg.gather [hbm4b:s3+s2], $0x80, v4, vm0, $0xb8;
	[tilespmem:$0x10200] =	vst v63  }
0x63: {  	v3 =	vperm.xlane v3, v2;
	s23 =	simm.s32 $0xCA00  }
0x64: {  	[tilespmem:s23], [sflag:$0x2] =	stream.indirect_vreg.gather [hbm4b:s5+s2], $0x80, v4, vm0, $0xb8;
	[tilespmem:$0x10200] =	vst v63  }
0x65: {  	v3 =	vadd.s32 v1, v3;
	s23 =	simm.s32 $0xD200  }
0x66: {  	[tilespmem:s23], [sflag:$0x2] =	stream.indirect_vreg.gather [hbm4b:s6+s2], $0x80, v4, vm0, $0xb8;
	[tilespmem:$0x10200] =	vst v63  }
0x67: {  	s23 =	simm.s32 $0xDA00  }
0x68: {  	[tilespmem:s23], [sflag:$0x2] =	stream.indirect_vreg.gather [hbm4b:s7+s2], $0x80, v4, vm0, $0xb8;
	[tilespmem:$0x10200] =	vst v63  }
0x69: {  	s23 =	simm.s32 $0xE200  }
0x6a: {  	[tilespmem:s23], [sflag:$0x2] =	stream.indirect_vreg.gather [hbm4b:s3+s2], $0x80, v3, vm0, $0xb8;
	[tilespmem:$0x10200] =	vst v63  }
0x6b: {  	s23 =	simm.s32 $0xEA00  }
0x6c: {  	[tilespmem:s23], [sflag:$0x2] =	stream.indirect_vreg.gather [hbm4b:s5+s2], $0x80, v3, vm0, $0xb8;
	[tilespmem:$0x10200] =	vst v63  }
0x6d: {  	s23 =	simm.s32 $0xF200  }
0x6e: {  	[tilespmem:s23], [sflag:$0x2] =	stream.indirect_vreg.gather [hbm4b:s6+s2], $0x80, v3, vm0, $0xb8;
	[tilespmem:$0x10200] =	vst v63  }
0x6f: {  	s23 =	simm.s32 $0xFA00  }
0x70: {  	[tilespmem:s23], [sflag:$0x2] =	stream.indirect_vreg.gather [hbm4b:s7+s2], $0x80, v3, vm0, $0xb8;
	[tilespmem:$0x10200] =	vst v63  }
0x71: {  	s23 =	rddreg [dreg:$0x7]  }
0x72: {  	[hbm4b:s23+s2] =	stream.linear.scatter [tilespmem:s28], [sflag:$0x3], $0x8000, $0x38;
	[tilespmem:$0x10200] =	vst v63  }
0x73: {  	_ =	swait.ge [sflag:s21], $0x8000  }
0x74: {  	[sflag:s21] =	ssyncset.done $0x0  }
0x75: {  	[sflag:s21] =	ssyncadd.s32 $0xFFFF8000  }
0x76: {  	_ =	swait.ge [sflag:s4], $0x8000  }
0x77: {  	[sflag:s4] =	ssyncset.done $0x0  }
0x78: {  	[sflag:s4] =	ssyncadd.s32 $0xFFFF8000  }
0x79: {  	v3 =	vld [tilespmem:$0x100];
	_ =	sdelay $0x4  }
0x7a: {  	v60 =	vshll.u32 v3, $0x3  }
0x7b: {  	v3 =	vand.u32 $0x7, v3;
	v4 =	vand.u32 $0xFFFFFFC0, v60  }
0x7c: {  	v3 =	vor.u32 v3, v4  }
0x7d: {  	v4 =	vperm.xlane v3, v0;
	_ =	sdelay $0x1  }
0x7e: {  	v4 =	vadd.s32 v1, v4;
	_ =	sdelay $0x4  }
0x7f: {  	[tilespmem:s28], [sflag:$0x1] =	stream.indirect_vreg.gather [hbm4b:s3+s2], $0x80, v4, vm0, $0xb8;
	[tilespmem:$0x10200] =	vst v63  }
0x80: {  	v3 =	vperm.xlane v3, v2  }
0x81: {  	[tilespmem:s24], [sflag:$0x1] =	stream.indirect_vreg.gather [hbm4b:s5+s2], $0x80, v4, vm0, $0xb8;
	[tilespmem:$0x10200] =	vst v63  }
0x82: {  	v3 =	vadd.s32 v1, v3  }
0x83: {  	[tilespmem:s25], [sflag:$0x1] =	stream.indirect_vreg.gather [hbm4b:s6+s2], $0x80, v4, vm0, $0xb8;
	[tilespmem:$0x10200] =	vst v63  }
0x84: {  	_ = 	snop  }
0x85: {  	[tilespmem:s29], [sflag:$0x1] =	stream.indirect_vreg.gather [hbm4b:s7+s2], $0x80, v4, vm0, $0xb8;
	[tilespmem:$0x10200] =	vst v63  }
0x86: {  	_ = 	snop  }
0x87: {  	[tilespmem:s30], [sflag:$0x1] =	stream.indirect_vreg.gather [hbm4b:s3+s2], $0x80, v3, vm0, $0xb8;
	[tilespmem:$0x10200] =	vst v63  }
0x88: {  	_ = 	snop  }
0x89: {  	[tilespmem:s31], [sflag:$0x1] =	stream.indirect_vreg.gather [hbm4b:s5+s2], $0x80, v3, vm0, $0xb8;
	[tilespmem:$0x10200] =	vst v63  }
0x8a: {  	_ = 	snop  }
0x8b: {  	[tilespmem:s9], [sflag:$0x1] =	stream.indirect_vreg.gather [hbm4b:s6+s2], $0x80, v3, vm0, $0xb8;
	[tilespmem:$0x10200] =	vst v63  }
0x8c: {  	_ = 	snop  }
0x8d: {  	[tilespmem:s1], [sflag:$0x1] =	stream.indirect_vreg.gather [hbm4b:s7+s2], $0x80, v3, vm0, $0xb8;
	[tilespmem:$0x10200] =	vst v63  }
0x8e: {  	v3 =	vld [tilespmem:$0x110];
	_ =	sdelay $0x4  }
0x8f: {  	v61 =	vshll.u32 v3, $0x3  }
0x90: {  	v3 =	vand.u32 $0x7, v3;
	v4 =	vand.u32 $0xFFFFFFC0, v61  }
0x91: {  	v3 =	vor.u32 v3, v4  }
0x92: {  	v4 =	vperm.xlane v3, v0;
	_ =	sdelay $0x1  }
0x93: {  	v4 =	vadd.s32 v1, v4;
	_ =	sdelay $0x4  }
0x94: {  	[tilespmem:s11], [sflag:$0x1] =	stream.indirect_vreg.gather [hbm4b:s3+s2], $0x80, v4, vm0, $0xb8;
	[tilespmem:$0x10200] =	vst v63  }
0x95: {  	v3 =	vperm.xlane v3, v2  }
0x96: {  	[tilespmem:s12], [sflag:$0x1] =	stream.indirect_vreg.gather [hbm4b:s5+s2], $0x80, v4, vm0, $0xb8;
	[tilespmem:$0x10200] =	vst v63  }
0x97: {  	v3 =	vadd.s32 v1, v3  }
0x98: {  	[tilespmem:s13], [sflag:$0x1] =	stream.indirect_vreg.gather [hbm4b:s6+s2], $0x80, v4, vm0, $0xb8;
	[tilespmem:$0x10200] =	vst v63  }
0x99: {  	_ = 	snop  }
0x9a: {  	[tilespmem:s14], [sflag:$0x1] =	stream.indirect_vreg.gather [hbm4b:s7+s2], $0x80, v4, vm0, $0xb8;
	[tilespmem:$0x10200] =	vst v63  }
0x9b: {  	_ = 	snop  }
0x9c: {  	[tilespmem:s15], [sflag:$0x1] =	stream.indirect_vreg.gather [hbm4b:s3+s2], $0x80, v3, vm0, $0xb8;
	[tilespmem:$0x10200] =	vst v63  }
0x9d: {  	_ = 	snop  }
0x9e: {  	[tilespmem:s16], [sflag:$0x1] =	stream.indirect_vreg.gather [hbm4b:s5+s2], $0x80, v3, vm0, $0xb8;
	[tilespmem:$0x10200] =	vst v63  }
0x9f: {  	_ = 	snop  }
0xa0: {  	[tilespmem:s17], [sflag:$0x1] =	stream.indirect_vreg.gather [hbm4b:s6+s2], $0x80, v3, vm0, $0xb8;
	[tilespmem:$0x10200] =	vst v63  }
0xa1: {  	_ = 	snop  }
0xa2: {  	[tilespmem:s18], [sflag:$0x1] =	stream.indirect_vreg.gather [hbm4b:s7+s2], $0x80, v3, vm0, $0xb8;
	[tilespmem:$0x10200] =	vst v63  }
0xa3: {  	s23 =	rddreg [dreg:$0x4]  }
0xa4: {  	[hbm4b:s23+s2] =	stream.linear.scatter [tilespmem:s26], [sflag:$0x4], $0x8000, $0x38;
	[tilespmem:$0x10200] =	vst v63  }
0xa5: {  	_ =	swait.ge [sflag:s0], $0x8000  }
0xa6: {  	[sflag:s0] =	ssyncset.done $0x0  }
0xa7: {  	[sflag:s0] =	ssyncadd.s32 $0xFFFF8000  }
0xa8: {  	_ =	swait.ge [sflag:s22], $0x8000  }
0xa9: {  	[sflag:s22] =	ssyncset.done $0x0  }
0xaa: {  	[sflag:s22] =	ssyncadd.s32 $0xFFFF8000  }
0xab: {  	v3 =	vld [tilespmem:$0x180];
	_ =	sdelay $0x4  }
0xac: {  	v62 =	vshll.u32 v3, $0x3  }
0xad: {  	v3 =	vand.u32 $0x7, v3;
	v4 =	vand.u32 $0xFFFFFFC0, v62  }
0xae: {  	v3 =	vor.u32 v3, v4  }
0xaf: {  	v4 =	vperm.xlane v3, v0;
	_ =	sdelay $0x1  }
0xb0: {  	v4 =	vadd.s32 v1, v4;
	_ =	sdelay $0x4  }
0xb1: {  	[tilespmem:s26], [sflag:$0x2] =	stream.indirect_vreg.gather [hbm4b:s3+s2], $0x80, v4, vm0, $0xb8;
	[tilespmem:$0x10200] =	vst v63  }
0xb2: {  	v3 =	vperm.xlane v3, v2  }
0xb3: {  	[tilespmem:s19], [sflag:$0x2] =	stream.indirect_vreg.gather [hbm4b:s5+s2], $0x80, v4, vm0, $0xb8;
	[tilespmem:$0x10200] =	vst v63  }
0xb4: {  	v3 =	vadd.s32 v1, v3  }
0xb5: {  	[tilespmem:s20], [sflag:$0x2] =	stream.indirect_vreg.gather [hbm4b:s6+s2], $0x80, v4, vm0, $0xb8;
	[tilespmem:$0x10200] =	vst v63  }
0xb6: {  	s23 =	simm.s32 $0x9A00  }
0xb7: {  	[tilespmem:s23], [sflag:$0x2] =	stream.indirect_vreg.gather [hbm4b:s7+s2], $0x80, v4, vm0, $0xb8;
	[tilespmem:$0x10200] =	vst v63  }
0xb8: {  	_ = 	snop  }
0xb9: {  	[tilespmem:s10], [sflag:$0x2] =	stream.indirect_vreg.gather [hbm4b:s3+s2], $0x80, v3, vm0, $0xb8;
	[tilespmem:$0x10200] =	vst v63  }
0xba: {  	s10 =	simm.s32 $0xAA00  }
0xbb: {  	[tilespmem:s10], [sflag:$0x2] =	stream.indirect_vreg.gather [hbm4b:s5+s2], $0x80, v3, vm0, $0xb8;
	[tilespmem:$0x10200] =	vst v63  }
0xbc: {  	s23 =	simm.s32 $0xB200  }
0xbd: {  	[tilespmem:s23], [sflag:$0x2] =	stream.indirect_vreg.gather [hbm4b:s6+s2], $0x80, v3, vm0, $0xb8;
	[tilespmem:$0x10200] =	vst v63  }
0xbe: {  	s10 =	simm.s32 $0xBA00  }
0xbf: {  	[tilespmem:s10], [sflag:$0x2] =	stream.indirect_vreg.gather [hbm4b:s7+s2], $0x80, v3, vm0, $0xb8;
	[tilespmem:$0x10200] =	vst v63  }
0xc0: {  	v3 =	vld [tilespmem:$0x190];
	_ =	sdelay $0x4  }
0xc1: {  	v63 =	vshll.u32 v3, $0x3  }
0xc2: {  	v3 =	vand.u32 $0x7, v3;
	v4 =	vand.u32 $0xFFFFFFC0, v63  }
0xc3: {  	v3 =	vor.u32 v3, v4  }
0xc4: {  	v4 =	vperm.xlane v3, v0;
	_ =	sdelay $0x1  }
0xc5: {  	v4 =	vadd.s32 v1, v4;
	_ =	sdelay $0x3  }
0xc6: {  	s23 =	simm.s32 $0xC200  }
0xc7: {  	[tilespmem:s23], [sflag:$0x2] =	stream.indirect_vreg.gather [hbm4b:s3+s2], $0x80, v4, vm0, $0xb8;
	[tilespmem:$0x10200] =	vst v63  }
0xc8: {  	s10 =	simm.s32 $0xCA00;
	v3 =	vperm.xlane v3, v2  }
0xc9: {  	[tilespmem:s10], [sflag:$0x2] =	stream.indirect_vreg.gather [hbm4b:s5+s2], $0x80, v4, vm0, $0xb8;
	[tilespmem:$0x10200] =	vst v63  }
0xca: {  	v3 =	vadd.s32 v1, v3;
	s23 =	simm.s32 $0xD200  }
0xcb: {  	[tilespmem:s23], [sflag:$0x2] =	stream.indirect_vreg.gather [hbm4b:s6+s2], $0x80, v4, vm0, $0xb8;
	[tilespmem:$0x10200] =	vst v63  }
0xcc: {  	s10 =	simm.s32 $0xDA00  }
0xcd: {  	[tilespmem:s10], [sflag:$0x2] =	stream.indirect_vreg.gather [hbm4b:s7+s2], $0x80, v4, vm0, $0xb8;
	[tilespmem:$0x10200] =	vst v63  }
0xce: {  	s23 =	simm.s32 $0xE200  }
0xcf: {  	[tilespmem:s23], [sflag:$0x2] =	stream.indirect_vreg.gather [hbm4b:s3+s2], $0x80, v3, vm0, $0xb8;
	[tilespmem:$0x10200] =	vst v63  }
0xd0: {  	s10 =	simm.s32 $0xEA00  }
0xd1: {  	[tilespmem:s10], [sflag:$0x2] =	stream.indirect_vreg.gather [hbm4b:s5+s2], $0x80, v3, vm0, $0xb8;
	[tilespmem:$0x10200] =	vst v63  }
0xd2: {  	s23 =	simm.s32 $0xF200  }
0xd3: {  	[tilespmem:s23], [sflag:$0x2] =	stream.indirect_vreg.gather [hbm4b:s6+s2], $0x80, v3, vm0, $0xb8;
	[tilespmem:$0x10200] =	vst v63  }
0xd4: {  	s10 =	simm.s32 $0xFA00  }
0xd5: {  	[tilespmem:s10], [sflag:$0x2] =	stream.indirect_vreg.gather [hbm4b:s7+s2], $0x80, v3, vm0, $0xb8;
	[tilespmem:$0x10200] =	vst v63  }
0xd6: {  	s23 =	rddreg [dreg:$0x5]  }
0xd7: {  	[hbm4b:s23+s2] =	stream.linear.scatter [tilespmem:s28], [sflag:$0x3], $0x8000, $0x38;
	[tilespmem:$0x10200] =	vst v63  }
0xd8: {  	_ =	swait.ge [sflag:s21], $0x8000  }
0xd9: {  	[sflag:s21] =	ssyncset.done $0x0  }
0xda: {  	s10 =	rddreg [dreg:$0x6];
	[sflag:s21] =	ssyncadd.s32 $0xFFFF8000  }
0xdb: {  	[hbm4b:s10+s2] =	stream.linear.scatter [tilespmem:s26], [sflag:$0x4], $0x8000, $0x38;
	[tilespmem:$0x10200] =	vst v63  }
0xdc: {  	p0 =	sne.s32 s8, $0x1;
	_ =	swait.ge [sflag:s4], $0x8000  }
.Ltmp0:
0xdd: {  	[sflag:s4] =	ssyncset.done $0x0;
	(pc) =	sbr.rel @p0 .LBB2_1-.Ltmp0, $4  }
0xde: {  	[sflag:s4] =	ssyncadd.s32 $0xFFFF8000  }
0xdf: {  	_ =	swait.ge [sflag:s22], $0x8000  }
0xe0: {  	[sflag:s22] =	ssyncset.done $0x0  }
0xe1: {  	s8 =	sadd.s32 $0xFFFFFFFF, s8;
	[sflag:s22] =	ssyncadd.s32 $0xFFFF8000  }
0xe2: {  	_ =	sfence.sel $0x180000  }
0xe3: {  	[bflag:$0x0] =	sbarrier.arrive $0xFFFF  }
0xe4: {  	_ =	strace $0x9000004A  }
0xe5: {  	s0 =	stileid.u32;
	[bflag:$0x2] =	sbarrier.arrive $0xFFFF  }
0xe6: {  	p0 =	sne.s32 s0, $0x0;
	s0 =	rddreg [dreg:$0x2]  }
0xe7: {  	s0 =	sadd.s32 @!p0 $0x100000, s0  }
0xe8: {  	[sflag:s0] =	ssyncadd.tile.s32 @!p0 $0x1;
	_ =	shalt  }
.Lfunc_end2:
_tile_overlayer_lowered:
.L_overlay_start_2:
0xe9: {  	(tag) =	ssettag $0x2  }
0xea: {  	s0 =	rddreg [dreg:$0x0];
	s2 =	stileid.u32  }
0xeb: {  	s1 =	rddreg [dreg:$0x1];
	p0 =	sne.s32 s2, $0x0  }
0xec: {  	s3 =	rddreg [dreg:$0x2];
	[bflag:$0x3] =	sbarrier.arrive $0xFFFF;
	s2 =	simm.s32 @!p0 $0x1C05  }
0xed: {  	[timem:s3], [sflag:s2] =	dma.local @!p0 [hbm:s0], s1  }
0xee: {  	s0 =	simm.s32 @!p0 $0x5  }
0xef: {  	_ =	swait.ge @!p0 [sflag:s0], s1  }
0xf0: {  	s1 =	ssub.s32 @!p0 $0x0, s1;
	[sflag:s0] =	ssyncset.done @!p0 $0x0  }
0xf1: {  	[sflag:s0] =	ssyncadd.s32 @!p0 s1  }
0xf2: {  	[bflag:$0x3] =	sbarrier.arrive $0xFFFF  }
0xf3: {  	_ =	shalt  }

</sc_bundles>
